<compile_context>
chip_gen: v7x
topology: tpu7x:2x2x1
jax: 0.10.2.dev20260603
libtpu: 0.0.44.dev20260713+nightly
codegen_flags: <defaults>
</compile_context>

<pallas_src>
import functools

import jax
import jax.numpy as jnp
from jax import lax
from jax.experimental import pallas as pl
from jax.experimental.pallas import tpu as pltpu
from jax.experimental.pallas import tpu_sc as plsc

L = 16
CH = 128
CT = 7813
PLANE = CT * 1024
HI_MASK = -65536


def _stage_base(idx, base, nch, ngr):
    def b_body(t, carry):
        j = t // ngr
        jj = t % ngr
        sl = pl.ds(pl.multiple_of(jj * L, L), L)
        v = idx[j, sl]
        base[j, sl] = ((v >> 7) << 10) | (v & 127)
        return carry

    lax.fori_loop(0, nch * ngr, b_body, 0)


def _issue_gathers(tab, base, pidx, rT, sem, dp, nch, ngr):
    def d_body(kk, carry):
        dbase = (kk >> 3) * PLANE + (kk & 7) * CH

        def p_body(t, c2):
            j = t // ngr
            jj = t % ngr
            sl = pl.ds(pl.multiple_of(jj * L, L), L)
            pidx[kk, j, sl] = base[j, sl] + dbase
            return c2

        lax.fori_loop(0, nch * ngr, p_body, 0)
        for j in range(nch):
            pltpu.async_copy(tab.at[pidx.at[kk, j]], rT.at[kk, j], sem)
        return carry

    lax.fori_loop(0, dp, d_body, 0)


def _gather_body(nc, bpw, dp, ut_f, uidx_h, uw_h,
                 uidx, ubase, pidxu, urT, sem):
    wid = lax.axis_index("s") * nc + lax.axis_index("c")
    pltpu.sync_copy(uidx_h.at[wid], uidx)
    nch = bpw // CH
    ngr = CH // L
    _stage_base(uidx, ubase, nch, ngr)
    _issue_gathers(ut_f, ubase, pidxu, urT, sem, dp, nch, ngr)
    pltpu.make_async_copy(uidx_h.at[pl.ds(0, dp)], urT, sem).wait()
    pltpu.sync_copy(urT, uw_h.at[wid])


def _combine_body(nc, bpw, dp, mt_f, midx_h, uw_h, wb_h, out_h,
                  midx, mbase, pidxm, urT, mrT, wbv, outv, sem):
    wid = lax.axis_index("s") * nc + lax.axis_index("c")
    pltpu.sync_copy(wb_h, wbv)
    pltpu.sync_copy(midx_h.at[wid], midx)
    pltpu.sync_copy(uw_h.at[wid], urT)
    nch = bpw // CH
    ngr = CH // L
    _stage_base(midx, mbase, nch, ngr)
    _issue_gathers(mt_f, mbase, pidxm, mrT, sem, dp, nch, ngr)
    pltpu.make_async_copy(midx_h.at[pl.ds(0, dp)], mrT, sem).wait()

    wvecs = [wbv[pl.ds(i * L, L)] for i in range((2 * dp) // L)]
    ws = [wvecs[k // L][k % L] for k in range(2 * dp)]
    bias = wbv[pl.ds(pl.multiple_of(2 * dp, L), L)][0]

    def g_body(g, carry):
        j = g >> 3
        sl = pl.ds(pl.multiple_of((g & 7) * L, L), L)
        acc = jnp.zeros((L,), jnp.float32)
        for k in range(dp):
            vu = urT[k, j, sl]
            vm = mrT[k, j, sl]
            u0 = plsc.bitcast(vu << 16, jnp.float32)
            u1 = plsc.bitcast(vu & HI_MASK, jnp.float32)
            m0 = plsc.bitcast(vm << 16, jnp.float32)
            m1 = plsc.bitcast(vm & HI_MASK, jnp.float32)
            acc = acc + u0 * m0 * ws[2 * k] + u1 * m1 * ws[2 * k + 1]
        x = acc + bias
        y = 1.0 / (1.0 + jnp.exp(-x))
        outv[pl.ds(pl.multiple_of(g * L, L), L)] = y
        return carry

    lax.fori_loop(0, bpw // L, g_body, 0)
    pltpu.sync_copy(outv, out_h.at[wid])


PACK_B = 76928


def _pack_body(in_ref, out_ref):
    u = lax.bitcast_convert_type(in_ref[...], jnp.int32)
    r = u + 0x7FFF + ((u >> 16) & 1)
    d2 = r.shape[0] // 2
    out_ref[...] = (r[d2:, :] & HI_MASK) | ((r[:d2, :] >> 16) & 0xFFFF)


def _flat_packed(table):
    n, d = table.shape
    npad = CT * 128
    out = pl.pallas_call(
        _pack_body,
        grid=(npad // PACK_B,),
        in_specs=[pl.BlockSpec((d, PACK_B), lambda i: (0, i))],
        out_specs=pl.BlockSpec((d // 2, PACK_B), lambda i: (0, i)),
        out_shape=jax.ShapeDtypeStruct((d // 2, npad), jnp.int32),
    )(table.T)
    return (out.reshape((d // 2) // 8, 8, CT, 128)
               .transpose(0, 2, 1, 3)
               .reshape(-1))


def kernel(users, movies, user_table, movie_table, W, b):
    batch = users.shape[0]
    d = user_table.shape[1]
    dp = d // 2

    info = plsc.get_sparse_core_info()
    nc, ns = info.num_cores, info.num_subcores
    nw = nc * ns
    bpw = batch // nw

    users3 = users.astype(jnp.int32).reshape(nw, bpw // CH, CH)
    movies3 = movies.astype(jnp.int32).reshape(nw, bpw // CH, CH)
    perm = []
    for kk in range(dp):
        perm += [kk, kk + dp]
    wb = jnp.concatenate([W.reshape(-1)[jnp.array(perm)], b.reshape(-1),
                          jnp.zeros((15,), jnp.float32)])

    mesh = plsc.VectorSubcoreMesh(core_axis_name="c", subcore_axis_name="s")
    cparams = pltpu.CompilerParams(needs_layout_passes=False,
                                   use_tc_tiling_on_sc=False)

    ut_f = _flat_packed(user_table)
    run_gather = pl.kernel(
        functools.partial(_gather_body, nc, bpw, dp),
        out_type=jax.ShapeDtypeStruct((nw, dp, bpw // CH, CH), jnp.int32),
        mesh=mesh,
        compiler_params=cparams,
        scratch_types=[
            pltpu.VMEM((bpw // CH, CH), jnp.int32),
            pltpu.VMEM((bpw // CH, CH), jnp.int32),
            pltpu.VMEM((dp, bpw // CH, CH), jnp.int32),
            pltpu.VMEM((dp, bpw // CH, CH), jnp.int32),
            pltpu.SemaphoreType.DMA,
        ],
    )
    uw = run_gather(ut_f, users3)

    mt_f = _flat_packed(movie_table)
    run_combine = pl.kernel(
        functools.partial(_combine_body, nc, bpw, dp),
        out_type=jax.ShapeDtypeStruct((nw, bpw), jnp.float32),
        mesh=mesh,
        compiler_params=cparams,
        scratch_types=[
            pltpu.VMEM((bpw // CH, CH), jnp.int32),
            pltpu.VMEM((bpw // CH, CH), jnp.int32),
            pltpu.VMEM((dp, bpw // CH, CH), jnp.int32),
            pltpu.VMEM((dp, bpw // CH, CH), jnp.int32),
            pltpu.VMEM((dp, bpw // CH, CH), jnp.int32),
            pltpu.VMEM((d + 16,), jnp.float32),
            pltpu.VMEM((bpw,), jnp.float32),
            pltpu.SemaphoreType.DMA,
        ],
    )
    out = run_combine(mt_f, movies3, uw, wb)
    return out.reshape(batch, 1)

# --- scband reference (transcript-rebuilt; emitter-appended) ---
"""Pipeline reference for scband-gmf-43894565765296 (READ-ONLY COPY).

The authoritative reference and input builder live on the scoring server;
editing this copy changes nothing except your own understanding.
"""

import jax, jax.numpy as jnp
import numpy as np

NUM_USERS = 1000000
NUM_ITEMS = 1000000
EMBED_DIM = 32
BATCH = 16384


def setup_inputs(seed: int = 0) -> dict:
    key = jax.random.key(seed)
    k1, k2, k3, k4, k5, k6 = jax.random.split(key, 6)
    users = jax.random.randint(k1, (BATCH,), 0, NUM_USERS, dtype=jnp.int64) if jax.config.jax_enable_x64 else jax.random.randint(k1, (BATCH,), 0, NUM_USERS, dtype=jnp.int32)
    movies = jax.random.randint(k2, (BATCH,), 0, NUM_ITEMS, dtype=jnp.int64) if jax.config.jax_enable_x64 else jax.random.randint(k2, (BATCH,), 0, NUM_ITEMS, dtype=jnp.int32)
    user_table = jax.random.normal(k3, (NUM_USERS, EMBED_DIM), dtype=jnp.float32)
    movie_table = jax.random.normal(k4, (NUM_ITEMS, EMBED_DIM), dtype=jnp.float32)
    # nn.Linear(embed_dim, 1): weight [1, embed_dim], bias [1]
    bound = 1.0 / np.sqrt(EMBED_DIM)
    W = jax.random.uniform(k5, (1, EMBED_DIM), dtype=jnp.float32, minval=-bound, maxval=bound)
    b = jax.random.uniform(k6, (1,), dtype=jnp.float32, minval=-bound, maxval=bound)
    return {"users": users, "movies": movies, "user_table": user_table, "movie_table": movie_table, "W": W, "b": b}


def reference(users, movies, user_table, movie_table, W, b):
    # gmf = user_embedding(users) * movie_embedding(movies)
    u = jnp.take(user_table, users, axis=0)   # [B, D] gather
    m = jnp.take(movie_table, movies, axis=0) # [B, D] gather
    gmf = u * m                                # [B, D]
    # linear(gmf): x @ W.T + b -> [B, 1]
    x = gmf @ W.T + b
    # sigmoid (top_depth == 0)
    return jax.nn.sigmoid(x)

if __name__ == "__main__":
    import jax
    _d = setup_inputs()
    print(jax.jit(kernel)(*tuple(_d.values())))

</pallas_src>

<mosaic_0001>
#map = affine_map<(d0, d1) -> (0)>
#map1 = affine_map<(d0, d1) -> (0, 0, 0)>
#map2 = affine_map<(d0, d1) -> (0, 0, 0, 0)>
module attributes {stable_mosaic.version = 14 : i64} {
  func.func @_gather_body(%arg0: i32, %arg1: i32, %arg2: memref<16001024xi32, #tpu.memory_space<hbm>>, %arg3: memref<32x4x128xi32, #tpu.memory_space<hbm>>, %arg4: memref<32x16x4x128xi32, #tpu.memory_space<hbm>>, %arg5: memref<4x128xi32, #tpu.memory_space<vmem>>, %arg6: memref<4x128xi32, #tpu.memory_space<vmem>>, %arg7: memref<16x4x128xi32, #tpu.memory_space<vmem>>, %arg8: memref<16x4x128xi32, #tpu.memory_space<vmem>>, %arg9: memref<!tpu.dma_semaphore, #tpu.memory_space<semaphore_mem>>) attributes {dimension_semantics = [#tpu.dimension_semantics<core_parallel>, #tpu.dimension_semantics<subcore_parallel>], iteration_bounds = array<i64: 2, 16>, scalar_prefetch = 0 : i64, scratch_operands = 5 : i64, tpu.core_type = #tpu.core_type<sc_vector_subcore>, window_params = [{transform_indices = #map}, {transform_indices = #map1}, {transform_indices = #map2}]} {
    %mul3A = arith.constant 2 : i32
    %mul3A_0 = arith.muli %arg1, %mul3A : i32
    %add3A = arith.addi %mul3A_0, %arg0 : i32
    "tpu.region"() ({
      %run_scoped3A = tpu.sem_alloc : memref<!tpu.dma_semaphore, #tpu.memory_space<semaphore_mem>>
      %dma_start3A = arith.constant 0 : i32
      %dma_start3A_19 = arith.constant 0 : i32
      %dma_start3A_20 = tpu.memref_slice %arg3[%add3A, %dma_start3A, %dma_start3A_19] : memref<32x4x128xi32, #tpu.memory_space<hbm>> -> memref<1x4x128xi32, #tpu.memory_space<hbm>>
      %dma_start3A_21 = tpu.memref_squeeze %dma_start3A_20 : memref<1x4x128xi32, #tpu.memory_space<hbm>> -> memref<4x128xi32, #tpu.memory_space<hbm>>
      %dma_start3A_22 = arith.constant 0 : i32
      %dma_start3A_23 = arith.constant 0 : i32
      %dma_start3A_24 = tpu.memref_slice %arg3[%add3A, %dma_start3A_22, %dma_start3A_23] : memref<32x4x128xi32, #tpu.memory_space<hbm>> -> memref<1x4x128xi32, #tpu.memory_space<hbm>>
      %dma_start3A_25 = tpu.memref_squeeze %dma_start3A_24 : memref<1x4x128xi32, #tpu.memory_space<hbm>> -> memref<4x128xi32, #tpu.memory_space<hbm>>
      tpu.enqueue_dma source(%dma_start3A_25 : memref<4x128xi32, #tpu.memory_space<hbm>>) target(%arg5 : memref<4x128xi32, #tpu.memory_space<vmem>>) target_semaphore(%run_scoped3A : memref<!tpu.dma_semaphore, #tpu.memory_space<semaphore_mem>>)
      %dma_wait3A_26 = arith.constant 0 : i32
      %dma_wait3A_27 = arith.constant 0 : i32
      %dma_wait3A_28 = tpu.memref_slice %arg3[%add3A, %dma_wait3A_26, %dma_wait3A_27] : memref<32x4x128xi32, #tpu.memory_space<hbm>> -> memref<1x4x128xi32, #tpu.memory_space<hbm>>
      %dma_wait3A_29 = tpu.memref_squeeze %dma_wait3A_28 : memref<1x4x128xi32, #tpu.memory_space<hbm>> -> memref<4x128xi32, #tpu.memory_space<hbm>>
      %dma_wait3A_30 = arith.constant 0 : i32
      %dma_wait3A_31 = arith.constant 0 : i32
      %dma_wait3A_32 = tpu.memref_slice %arg3[%add3A, %dma_wait3A_30, %dma_wait3A_31] : memref<32x4x128xi32, #tpu.memory_space<hbm>> -> memref<1x4x128xi32, #tpu.memory_space<hbm>>
      %dma_wait3A_33 = tpu.memref_squeeze %dma_wait3A_32 : memref<1x4x128xi32, #tpu.memory_space<hbm>> -> memref<4x128xi32, #tpu.memory_space<hbm>>
      tpu.wait_dma2 semaphore(%run_scoped3A : memref<!tpu.dma_semaphore, #tpu.memory_space<semaphore_mem>>) src(%dma_wait3A_33 : memref<4x128xi32, #tpu.memory_space<hbm>>) dst(%arg5 : memref<4x128xi32, #tpu.memory_space<vmem>>)
      tpu.yield
    }) : () -> ()
    %scan3A = arith.constant 0 : i32
    %scan3A_1 = arith.constant 0 : i32
    %scan3A_2 = arith.constant 32 : i32
    %scan3A_3 = arith.addi %scan3A_1, %scan3A_2 : i32
    %scan3A_4 = arith.constant 1 : i32
    scf.for %scan3A_19 = %scan3A_1 to %scan3A_3 step %scan3A_4  : i32 {
      %jit3A = arith.constant 8 : i32
      %div3A = arith.divsi %scan3A_19, %jit3A : i32
      %sign3A = arith.constant 0 : i32
      %sign3A_20 = arith.cmpi sgt, %scan3A_19, %sign3A : i32
      %sign3A_21 = arith.extui %sign3A_20 : i1 to i32
      %sign3A_22 = arith.constant 0 : i32
      %sign3A_23 = arith.cmpi slt, %scan3A_19, %sign3A_22 : i32
      %sign3A_24 = arith.extui %sign3A_23 : i1 to i32
      %sign3A_25 = arith.subi %sign3A_21, %sign3A_24 : i32
      %sign3A_26 = arith.constant 0 : i32
      %sign3A_27 = arith.cmpi sgt, %jit3A, %sign3A_26 : i32
      %sign3A_28 = arith.extui %sign3A_27 : i1 to i32
      %sign3A_29 = arith.constant 0 : i32
      %sign3A_30 = arith.cmpi slt, %jit3A, %sign3A_29 : i32
      %sign3A_31 = arith.extui %sign3A_30 : i1 to i32
      %sign3A_32 = arith.subi %sign3A_28, %sign3A_31 : i32
      %ne3A = arith.cmpi ne, %sign3A_25, %sign3A_32 : i32
      %rem3A = arith.remsi %scan3A_19, %jit3A : i32
      %ne3A_33 = arith.constant 0 : i32
      %ne3A_34 = arith.cmpi ne, %rem3A, %ne3A_33 : i32
      %and3A = arith.andi %ne3A, %ne3A_34 : i1
      %sub3A = arith.constant 1 : i32
      %sub3A_35 = arith.subi %div3A, %sub3A : i32
      %select_n3A = arith.select %and3A, %sub3A_35, %div3A : i32
      %jit3A_36 = arith.constant 8 : i32
      %eq3A = arith.constant 0 : i32
      %eq3A_37 = arith.cmpi eq, %jit3A_36, %eq3A : i32
      %jit3A_38 = arith.constant 1 : i32
      %select_n3A_39 = arith.select %eq3A_37, %jit3A_38, %jit3A_36 : i32
      %rem3A_40 = arith.remsi %scan3A_19, %select_n3A_39 : i32
      %ne3A_41 = arith.constant 0 : i32
      %ne3A_42 = arith.cmpi ne, %rem3A_40, %ne3A_41 : i32
      %lt3A = arith.constant 0 : i32
      %lt3A_43 = arith.cmpi slt, %rem3A_40, %lt3A : i32
      %lt3A_44 = arith.constant 0 : i32
      %lt3A_45 = arith.cmpi slt, %select_n3A_39, %lt3A_44 : i32
      %ne3A_46 = arith.xori %lt3A_43, %lt3A_45 : i1
      %and3A_47 = arith.andi %ne3A_46, %ne3A_42 : i1
      %add3A_48 = arith.addi %rem3A_40, %select_n3A_39 : i32
      %select_n3A_49 = arith.select %and3A_47, %add3A_48, %rem3A_40 : i32
      %mul3A_50 = arith.constant 16 : i32
      %mul3A_51 = arith.muli %select_n3A_49, %mul3A_50 : i32
      %multiple_of3A = tpu.assume_multiple %mul3A_51, 16 : i32
      %get3A = arith.index_cast %select_n3A : i32 to index
      %get3A_52 = arith.index_cast %multiple_of3A : i32 to index
      %get3A_53 = tpu.vector_load %arg5[%get3A, %get3A_52] {strides = array<i32>} : memref<4x128xi32, #tpu.memory_space<vmem>>, vector<16xi32>,
      %shift_right_arithmetic3A = arith.constant 7 : i32
      %shift_right_arithmetic3A_54 = vector.broadcast %shift_right_arithmetic3A : i32 to vector<16xi32>
      %shift_right_arithmetic3A_55 = arith.shrsi %get3A_53, %shift_right_arithmetic3A_54 : vector<16xi32>
      %shift_left3A = arith.constant 10 : i32
      %shift_left3A_56 = vector.broadcast %shift_left3A : i32 to vector<16xi32>
      %shift_left3A_57 = arith.shli %shift_right_arithmetic3A_55, %shift_left3A_56 : vector<16xi32>
      %and3A_58 = arith.constant 127 : i32
      %and3A_59 = vector.broadcast %and3A_58 : i32 to vector<16xi32>
      %and3A_60 = arith.andi %get3A_53, %and3A_59 : vector<16xi32>
      %or3A = arith.ori %shift_left3A_57, %and3A_60 : vector<16xi32>
      %swap3A = arith.index_cast %select_n3A : i32 to index
      %swap3A_61 = arith.index_cast %multiple_of3A : i32 to index
      %swap3A_62 = tpu.vector_load %arg6[%swap3A, %swap3A_61] {strides = array<i32>} : memref<4x128xi32, #tpu.memory_space<vmem>>, vector<16xi32>,
      tpu.vector_store %arg6[%swap3A, %swap3A_61], %or3A {strides = array<i32>} : memref<4x128xi32, #tpu.memory_space<vmem>>, vector<16xi32>,
    }
    %scan3A_5 = arith.constant 32 : i32
    %scan3A_6 = arith.constant 0 : i32
    %scan3A_7 = arith.constant 0 : i32
    %scan3A_8 = arith.constant 16 : i32
    %scan3A_9 = arith.addi %scan3A_7, %scan3A_8 : i32
    %scan3A_10 = arith.constant 1 : i32
    scf.for %scan3A_19 = %scan3A_7 to %scan3A_9 step %scan3A_10  : i32 {
      %shift_right_arithmetic3A = arith.constant 3 : i32
      %shift_right_arithmetic3A_20 = arith.shrsi %scan3A_19, %shift_right_arithmetic3A : i32
      %mul3A_21 = arith.constant 8000512 : i32
      %mul3A_22 = arith.muli %shift_right_arithmetic3A_20, %mul3A_21 : i32
      %and3A = arith.constant 7 : i32
      %and3A_23 = arith.andi %scan3A_19, %and3A : i32
      %mul3A_24 = arith.constant 128 : i32
      %mul3A_25 = arith.muli %and3A_23, %mul3A_24 : i32
      %add3A_26 = arith.addi %mul3A_22, %mul3A_25 : i32
      %scan3A_27 = arith.constant 0 : i32
      %scan3A_28 = arith.constant 0 : i32
      %scan3A_29 = arith.constant 32 : i32
      %scan3A_30 = arith.addi %scan3A_28, %scan3A_29 : i32
      %scan3A_31 = arith.constant 1 : i32
      scf.for %scan3A_72 = %scan3A_28 to %scan3A_30 step %scan3A_31  : i32 {
        %jit3A = arith.constant 8 : i32
        %div3A = arith.divsi %scan3A_72, %jit3A : i32
        %sign3A = arith.constant 0 : i32
        %sign3A_73 = arith.cmpi sgt, %scan3A_72, %sign3A : i32
        %sign3A_74 = arith.extui %sign3A_73 : i1 to i32
        %sign3A_75 = arith.constant 0 : i32
        %sign3A_76 = arith.cmpi slt, %scan3A_72, %sign3A_75 : i32
        %sign3A_77 = arith.extui %sign3A_76 : i1 to i32
        %sign3A_78 = arith.subi %sign3A_74, %sign3A_77 : i32
        %sign3A_79 = arith.constant 0 : i32
        %sign3A_80 = arith.cmpi sgt, %jit3A, %sign3A_79 : i32
        %sign3A_81 = arith.extui %sign3A_80 : i1 to i32
        %sign3A_82 = arith.constant 0 : i32
        %sign3A_83 = arith.cmpi slt, %jit3A, %sign3A_82 : i32
        %sign3A_84 = arith.extui %sign3A_83 : i1 to i32
        %sign3A_85 = arith.subi %sign3A_81, %sign3A_84 : i32
        %ne3A = arith.cmpi ne, %sign3A_78, %sign3A_85 : i32
        %rem3A = arith.remsi %scan3A_72, %jit3A : i32
        %ne3A_86 = arith.constant 0 : i32
        %ne3A_87 = arith.cmpi ne, %rem3A, %ne3A_86 : i32
        %and3A_88 = arith.andi %ne3A, %ne3A_87 : i1
        %sub3A = arith.constant 1 : i32
        %sub3A_89 = arith.subi %div3A, %sub3A : i32
        %select_n3A = arith.select %and3A_88, %sub3A_89, %div3A : i32
        %jit3A_90 = arith.constant 8 : i32
        %eq3A = arith.constant 0 : i32
        %eq3A_91 = arith.cmpi eq, %jit3A_90, %eq3A : i32
        %jit3A_92 = arith.constant 1 : i32
        %select_n3A_93 = arith.select %eq3A_91, %jit3A_92, %jit3A_90 : i32
        %rem3A_94 = arith.remsi %scan3A_72, %select_n3A_93 : i32
        %ne3A_95 = arith.constant 0 : i32
        %ne3A_96 = arith.cmpi ne, %rem3A_94, %ne3A_95 : i32
        %lt3A = arith.constant 0 : i32
        %lt3A_97 = arith.cmpi slt, %rem3A_94, %lt3A : i32
        %lt3A_98 = arith.constant 0 : i32
        %lt3A_99 = arith.cmpi slt, %select_n3A_93, %lt3A_98 : i32
        %ne3A_100 = arith.xori %lt3A_97, %lt3A_99 : i1
        %and3A_101 = arith.andi %ne3A_100, %ne3A_96 : i1
        %add3A_102 = arith.addi %rem3A_94, %select_n3A_93 : i32
        %select_n3A_103 = arith.select %and3A_101, %add3A_102, %rem3A_94 : i32
        %mul3A_104 = arith.constant 16 : i32
        %mul3A_105 = arith.muli %select_n3A_103, %mul3A_104 : i32
        %multiple_of3A = tpu.assume_multiple %mul3A_105, 16 : i32
        %get3A = arith.index_cast %select_n3A : i32 to index
        %get3A_106 = arith.index_cast %multiple_of3A : i32 to index
        %get3A_107 = tpu.vector_load %arg6[%get3A, %get3A_106] {strides = array<i32>} : memref<4x128xi32, #tpu.memory_space<vmem>>, vector<16xi32>,
        %add3A_108 = vector.broadcast %add3A_26 : i32 to vector<16xi32>
        %add3A_109 = arith.addi %get3A_107, %add3A_108 : vector<16xi32>
        %swap3A = arith.index_cast %scan3A_19 : i32 to index
        %swap3A_110 = arith.index_cast %select_n3A : i32 to index
        %swap3A_111 = arith.index_cast %multiple_of3A : i32 to index
        %swap3A_112 = tpu.vector_load %arg7[%swap3A, %swap3A_110, %swap3A_111] {strides = array<i32>} : memref<16x4x128xi32, #tpu.memory_space<vmem>>, vector<16xi32>,
        tpu.vector_store %arg7[%swap3A, %swap3A_110, %swap3A_111], %add3A_109 {strides = array<i32>} : memref<16x4x128xi32, #tpu.memory_space<vmem>>, vector<16xi32>,
      }
      %scan3A_32 = arith.constant 32 : i32
      %dma_start3A = arith.constant 0 : i32
      %dma_start3A_33 = arith.constant 0 : i32
      %dma_start3A_34 = arith.constant 0 : i32
      %dma_start3A_35 = tpu.memref_slice %arg8[%scan3A_19, %dma_start3A_33, %dma_start3A_34] : memref<16x4x128xi32, #tpu.memory_space<vmem>> -> memref<1x1x128xi32, #tpu.memory_space<vmem>>
      %dma_start3A_36 = tpu.memref_squeeze %dma_start3A_35 : memref<1x1x128xi32, #tpu.memory_space<vmem>> -> memref<128xi32, #tpu.memory_space<vmem>>
      %dma_start3A_37 = arith.constant 0 : i32
      %dma_start3A_38 = tpu.memref_slice %arg7[%scan3A_19, %dma_start3A, %dma_start3A_37] : memref<16x4x128xi32, #tpu.memory_space<vmem>> -> memref<1x1x128xi32, #tpu.memory_space<vmem>>
      %dma_start3A_39 = tpu.memref_squeeze %dma_start3A_38 : memref<1x1x128xi32, #tpu.memory_space<vmem>> -> memref<128xi32, #tpu.memory_space<vmem>>
      %dma_start3A_40 = arith.constant 0 : i32
      %dma_start3A_41 = tpu.memref_slice %arg2[%dma_start3A_40] : memref<16001024xi32, #tpu.memory_space<hbm>> -> memref<16001024xi32, #tpu.memory_space<hbm>>
      tpu.enqueue_indirect_dma source(%dma_start3A_41 : memref<16001024xi32, #tpu.memory_space<hbm>>) target(%dma_start3A_36 : memref<128xi32, #tpu.memory_space<vmem>>) offsets(%dma_start3A_39 : memref<128xi32, #tpu.memory_space<vmem>>) semaphore(%arg9 : memref<!tpu.dma_semaphore, #tpu.memory_space<semaphore_mem>>)
      %dma_start3A_42 = arith.constant 1 : i32
      %dma_start3A_43 = arith.constant 1 : i32
      %dma_start3A_44 = arith.constant 0 : i32
      %dma_start3A_45 = tpu.memref_slice %arg8[%scan3A_19, %dma_start3A_43, %dma_start3A_44] : memref<16x4x128xi32, #tpu.memory_space<vmem>> -> memref<1x1x128xi32, #tpu.memory_space<vmem>>
      %dma_start3A_46 = tpu.memref_squeeze %dma_start3A_45 : memref<1x1x128xi32, #tpu.memory_space<vmem>> -> memref<128xi32, #tpu.memory_space<vmem>>
      %dma_start3A_47 = arith.constant 0 : i32
      %dma_start3A_48 = tpu.memref_slice %arg7[%scan3A_19, %dma_start3A_42, %dma_start3A_47] : memref<16x4x128xi32, #tpu.memory_space<vmem>> -> memref<1x1x128xi32, #tpu.memory_space<vmem>>
      %dma_start3A_49 = tpu.memref_squeeze %dma_start3A_48 : memref<1x1x128xi32, #tpu.memory_space<vmem>> -> memref<128xi32, #tpu.memory_space<vmem>>
      %dma_start3A_50 = arith.constant 0 : i32
      %dma_start3A_51 = tpu.memref_slice %arg2[%dma_start3A_50] : memref<16001024xi32, #tpu.memory_space<hbm>> -> memref<16001024xi32, #tpu.memory_space<hbm>>
      tpu.enqueue_indirect_dma source(%dma_start3A_51 : memref<16001024xi32, #tpu.memory_space<hbm>>) target(%dma_start3A_46 : memref<128xi32, #tpu.memory_space<vmem>>) offsets(%dma_start3A_49 : memref<128xi32, #tpu.memory_space<vmem>>) semaphore(%arg9 : memref<!tpu.dma_semaphore, #tpu.memory_space<semaphore_mem>>)
      %dma_start3A_52 = arith.constant 2 : i32
      %dma_start3A_53 = arith.constant 2 : i32
      %dma_start3A_54 = arith.constant 0 : i32
      %dma_start3A_55 = tpu.memref_slice %arg8[%scan3A_19, %dma_start3A_53, %dma_start3A_54] : memref<16x4x128xi32, #tpu.memory_space<vmem>> -> memref<1x1x128xi32, #tpu.memory_space<vmem>>
      %dma_start3A_56 = tpu.memref_squeeze %dma_start3A_55 : memref<1x1x128xi32, #tpu.memory_space<vmem>> -> memref<128xi32, #tpu.memory_space<vmem>>
      %dma_start3A_57 = arith.constant 0 : i32
      %dma_start3A_58 = tpu.memref_slice %arg7[%scan3A_19, %dma_start3A_52, %dma_start3A_57] : memref<16x4x128xi32, #tpu.memory_space<vmem>> -> memref<1x1x128xi32, #tpu.memory_space<vmem>>
      %dma_start3A_59 = tpu.memref_squeeze %dma_start3A_58 : memref<1x1x128xi32, #tpu.memory_space<vmem>> -> memref<128xi32, #tpu.memory_space<vmem>>
      %dma_start3A_60 = arith.constant 0 : i32
      %dma_start3A_61 = tpu.memref_slice %arg2[%dma_start3A_60] : memref<16001024xi32, #tpu.memory_space<hbm>> -> memref<16001024xi32, #tpu.memory_space<hbm>>
      tpu.enqueue_indirect_dma source(%dma_start3A_61 : memref<16001024xi32, #tpu.memory_space<hbm>>) target(%dma_start3A_56 : memref<128xi32, #tpu.memory_space<vmem>>) offsets(%dma_start3A_59 : memref<128xi32, #tpu.memory_space<vmem>>) semaphore(%arg9 : memref<!tpu.dma_semaphore, #tpu.memory_space<semaphore_mem>>)
      %dma_start3A_62 = arith.constant 3 : i32
      %dma_start3A_63 = arith.constant 3 : i32
      %dma_start3A_64 = arith.constant 0 : i32
      %dma_start3A_65 = tpu.memref_slice %arg8[%scan3A_19, %dma_start3A_63, %dma_start3A_64] : memref<16x4x128xi32, #tpu.memory_space<vmem>> -> memref<1x1x128xi32, #tpu.memory_space<vmem>>
      %dma_start3A_66 = tpu.memref_squeeze %dma_start3A_65 : memref<1x1x128xi32, #tpu.memory_space<vmem>> -> memref<128xi32, #tpu.memory_space<vmem>>
      %dma_start3A_67 = arith.constant 0 : i32
      %dma_start3A_68 = tpu.memref_slice %arg7[%scan3A_19, %dma_start3A_62, %dma_start3A_67] : memref<16x4x128xi32, #tpu.memory_space<vmem>> -> memref<1x1x128xi32, #tpu.memory_space<vmem>>
      %dma_start3A_69 = tpu.memref_squeeze %dma_start3A_68 : memref<1x1x128xi32, #tpu.memory_space<vmem>> -> memref<128xi32, #tpu.memory_space<vmem>>
      %dma_start3A_70 = arith.constant 0 : i32
      %dma_start3A_71 = tpu.memref_slice %arg2[%dma_start3A_70] : memref<16001024xi32, #tpu.memory_space<hbm>> -> memref<16001024xi32, #tpu.memory_space<hbm>>
      tpu.enqueue_indirect_dma source(%dma_start3A_71 : memref<16001024xi32, #tpu.memory_space<hbm>>) target(%dma_start3A_66 : memref<128xi32, #tpu.memory_space<vmem>>) offsets(%dma_start3A_69 : memref<128xi32, #tpu.memory_space<vmem>>) semaphore(%arg9 : memref<!tpu.dma_semaphore, #tpu.memory_space<semaphore_mem>>)
    }
    %scan3A_11 = arith.constant 16 : i32
    %dma_wait3A = arith.constant 0 : i32
    %dma_wait3A_12 = arith.constant 0 : i32
    %dma_wait3A_13 = arith.constant 0 : i32
    %dma_wait3A_14 = tpu.memref_slice %arg3[%dma_wait3A, %dma_wait3A_12, %dma_wait3A_13] : memref<32x4x128xi32, #tpu.memory_space<hbm>> -> memref<16x4x128xi32, #tpu.memory_space<hbm>>
    %dma_wait3A_15 = arith.constant 0 : i32
    %dma_wait3A_16 = arith.constant 0 : i32
    %dma_wait3A_17 = arith.constant 0 : i32
    %dma_wait3A_18 = tpu.memref_slice %arg3[%dma_wait3A_15, %dma_wait3A_16, %dma_wait3A_17] : memref<32x4x128xi32, #tpu.memory_space<hbm>> -> memref<16x4x128xi32, #tpu.memory_space<hbm>>
    tpu.wait_dma2 semaphore(%arg9 : memref<!tpu.dma_semaphore, #tpu.memory_space<semaphore_mem>>) src(%dma_wait3A_18 : memref<16x4x128xi32, #tpu.memory_space<hbm>>) dst(%arg8 : memref<16x4x128xi32, #tpu.memory_space<vmem>>)
    "tpu.region"() ({
      %run_scoped3A = tpu.sem_alloc : memref<!tpu.dma_semaphore, #tpu.memory_space<semaphore_mem>>
      %dma_start3A = arith.constant 0 : i32
      %dma_start3A_19 = arith.constant 0 : i32
      %dma_start3A_20 = arith.constant 0 : i32
      %dma_start3A_21 = tpu.memref_slice %arg4[%add3A, %dma_start3A, %dma_start3A_19, %dma_start3A_20] : memref<32x16x4x128xi32, #tpu.memory_space<hbm>> -> memref<1x16x4x128xi32, #tpu.memory_space<hbm>>
      %dma_start3A_22 = tpu.memref_squeeze %dma_start3A_21 : memref<1x16x4x128xi32, #tpu.memory_space<hbm>> -> memref<16x4x128xi32, #tpu.memory_space<hbm>>
      %dma_start3A_23 = arith.constant 0 : i32
      %dma_start3A_24 = arith.constant 0 : i32
      %dma_start3A_25 = arith.constant 0 : i32
      %dma_start3A_26 = tpu.memref_slice %arg4[%add3A, %dma_start3A_23, %dma_start3A_24, %dma_start3A_25] : memref<32x16x4x128xi32, #tpu.memory_space<hbm>> -> memref<1x16x4x128xi32, #tpu.memory_space<hbm>>
      %dma_start3A_27 = tpu.memref_squeeze %dma_start3A_26 : memref<1x16x4x128xi32, #tpu.memory_space<hbm>> -> memref<16x4x128xi32, #tpu.memory_space<hbm>>
      tpu.enqueue_dma source(%arg8 : memref<16x4x128xi32, #tpu.memory_space<vmem>>) target(%dma_start3A_27 : memref<16x4x128xi32, #tpu.memory_space<hbm>>) target_semaphore(%run_scoped3A : memref<!tpu.dma_semaphore, #tpu.memory_space<semaphore_mem>>)
      %dma_wait3A_28 = arith.constant 0 : i32
      %dma_wait3A_29 = arith.constant 0 : i32
      %dma_wait3A_30 = arith.constant 0 : i32
      %dma_wait3A_31 = tpu.memref_slice %arg4[%add3A, %dma_wait3A_28, %dma_wait3A_29, %dma_wait3A_30] : memref<32x16x4x128xi32, #tpu.memory_space<hbm>> -> memref<1x16x4x128xi32, #tpu.memory_space<hbm>>
      %dma_wait3A_32 = tpu.memref_squeeze %dma_wait3A_31 : memref<1x16x4x128xi32, #tpu.memory_space<hbm>> -> memref<16x4x128xi32, #tpu.memory_space<hbm>>
      %dma_wait3A_33 = arith.constant 0 : i32
      %dma_wait3A_34 = arith.constant 0 : i32
      %dma_wait3A_35 = arith.constant 0 : i32
      %dma_wait3A_36 = tpu.memref_slice %arg4[%add3A, %dma_wait3A_33, %dma_wait3A_34, %dma_wait3A_35] : memref<32x16x4x128xi32, #tpu.memory_space<hbm>> -> memref<1x16x4x128xi32, #tpu.memory_space<hbm>>
      %dma_wait3A_37 = tpu.memref_squeeze %dma_wait3A_36 : memref<1x16x4x128xi32, #tpu.memory_space<hbm>> -> memref<16x4x128xi32, #tpu.memory_space<hbm>>
      tpu.wait_dma2 semaphore(%run_scoped3A : memref<!tpu.dma_semaphore, #tpu.memory_space<semaphore_mem>>) src(%arg8 : memref<16x4x128xi32, #tpu.memory_space<vmem>>) dst(%dma_wait3A_37 : memref<16x4x128xi32, #tpu.memory_space<hbm>>)
      tpu.yield
    }) : () -> ()
    return
  }
}

#map = affine_map<(d0, d1) -> (0)>
#map1 = affine_map<(d0, d1) -> (0, 0, 0)>
#map2 = affine_map<(d0, d1) -> (0, 0, 0, 0)>
#map3 = affine_map<(d0, d1) -> (0, 0)>
module attributes {stable_mosaic.version = 14 : i64} {
  func.func @_combine_body(%arg0: i32, %arg1: i32, %arg2: memref<16001024xi32, #tpu.memory_space<hbm>>, %arg3: memref<32x4x128xi32, #tpu.memory_space<hbm>>, %arg4: memref<32x16x4x128xi32, #tpu.memory_space<hbm>>, %arg5: memref<48xf32, #tpu.memory_space<hbm>>, %arg6: memref<32x512xf32, #tpu.memory_space<hbm>>, %arg7: memref<4x128xi32, #tpu.memory_space<vmem>>, %arg8: memref<4x128xi32, #tpu.memory_space<vmem>>, %arg9: memref<16x4x128xi32, #tpu.memory_space<vmem>>, %arg10: memref<16x4x128xi32, #tpu.memory_space<vmem>>, %arg11: memref<16x4x128xi32, #tpu.memory_space<vmem>>, %arg12: memref<48xf32, #tpu.memory_space<vmem>>, %arg13: memref<512xf32, #tpu.memory_space<vmem>>, %arg14: memref<!tpu.dma_semaphore, #tpu.memory_space<semaphore_mem>>) attributes {dimension_semantics = [#tpu.dimension_semantics<core_parallel>, #tpu.dimension_semantics<subcore_parallel>], iteration_bounds = array<i64: 2, 16>, scalar_prefetch = 0 : i64, scratch_operands = 8 : i64, tpu.core_type = #tpu.core_type<sc_vector_subcore>, window_params = [{transform_indices = #map}, {transform_indices = #map1}, {transform_indices = #map2}, {transform_indices = #map}, {transform_indices = #map3}]} {
    %mul3A = arith.constant 2 : i32
    %mul3A_0 = arith.muli %arg1, %mul3A : i32
    %add3A = arith.addi %mul3A_0, %arg0 : i32
    "tpu.region"() ({
      %run_scoped3A = tpu.sem_alloc : memref<!tpu.dma_semaphore, #tpu.memory_space<semaphore_mem>>
      tpu.enqueue_dma source(%arg5 : memref<48xf32, #tpu.memory_space<hbm>>) target(%arg12 : memref<48xf32, #tpu.memory_space<vmem>>) target_semaphore(%run_scoped3A : memref<!tpu.dma_semaphore, #tpu.memory_space<semaphore_mem>>)
      tpu.wait_dma2 semaphore(%run_scoped3A : memref<!tpu.dma_semaphore, #tpu.memory_space<semaphore_mem>>) src(%arg5 : memref<48xf32, #tpu.memory_space<hbm>>) dst(%arg12 : memref<48xf32, #tpu.memory_space<vmem>>)
      tpu.yield
    }) : () -> ()
    "tpu.region"() ({
      %run_scoped3A = tpu.sem_alloc : memref<!tpu.dma_semaphore, #tpu.memory_space<semaphore_mem>>
      %dma_start3A = arith.constant 0 : i32
      %dma_start3A_95 = arith.constant 0 : i32
      %dma_start3A_96 = tpu.memref_slice %arg3[%add3A, %dma_start3A, %dma_start3A_95] : memref<32x4x128xi32, #tpu.memory_space<hbm>> -> memref<1x4x128xi32, #tpu.memory_space<hbm>>
      %dma_start3A_97 = tpu.memref_squeeze %dma_start3A_96 : memref<1x4x128xi32, #tpu.memory_space<hbm>> -> memref<4x128xi32, #tpu.memory_space<hbm>>
      %dma_start3A_98 = arith.constant 0 : i32
      %dma_start3A_99 = arith.constant 0 : i32
      %dma_start3A_100 = tpu.memref_slice %arg3[%add3A, %dma_start3A_98, %dma_start3A_99] : memref<32x4x128xi32, #tpu.memory_space<hbm>> -> memref<1x4x128xi32, #tpu.memory_space<hbm>>
      %dma_start3A_101 = tpu.memref_squeeze %dma_start3A_100 : memref<1x4x128xi32, #tpu.memory_space<hbm>> -> memref<4x128xi32, #tpu.memory_space<hbm>>
      tpu.enqueue_dma source(%dma_start3A_101 : memref<4x128xi32, #tpu.memory_space<hbm>>) target(%arg7 : memref<4x128xi32, #tpu.memory_space<vmem>>) target_semaphore(%run_scoped3A : memref<!tpu.dma_semaphore, #tpu.memory_space<semaphore_mem>>)
      %dma_wait3A_102 = arith.constant 0 : i32
      %dma_wait3A_103 = arith.constant 0 : i32
      %dma_wait3A_104 = tpu.memref_slice %arg3[%add3A, %dma_wait3A_102, %dma_wait3A_103] : memref<32x4x128xi32, #tpu.memory_space<hbm>> -> memref<1x4x128xi32, #tpu.memory_space<hbm>>
      %dma_wait3A_105 = tpu.memref_squeeze %dma_wait3A_104 : memref<1x4x128xi32, #tpu.memory_space<hbm>> -> memref<4x128xi32, #tpu.memory_space<hbm>>
      %dma_wait3A_106 = arith.constant 0 : i32
      %dma_wait3A_107 = arith.constant 0 : i32
      %dma_wait3A_108 = tpu.memref_slice %arg3[%add3A, %dma_wait3A_106, %dma_wait3A_107] : memref<32x4x128xi32, #tpu.memory_space<hbm>> -> memref<1x4x128xi32, #tpu.memory_space<hbm>>
      %dma_wait3A_109 = tpu.memref_squeeze %dma_wait3A_108 : memref<1x4x128xi32, #tpu.memory_space<hbm>> -> memref<4x128xi32, #tpu.memory_space<hbm>>
      tpu.wait_dma2 semaphore(%run_scoped3A : memref<!tpu.dma_semaphore, #tpu.memory_space<semaphore_mem>>) src(%dma_wait3A_109 : memref<4x128xi32, #tpu.memory_space<hbm>>) dst(%arg7 : memref<4x128xi32, #tpu.memory_space<vmem>>)
      tpu.yield
    }) : () -> ()
    "tpu.region"() ({
      %run_scoped3A = tpu.sem_alloc : memref<!tpu.dma_semaphore, #tpu.memory_space<semaphore_mem>>
      %dma_start3A = arith.constant 0 : i32
      %dma_start3A_95 = arith.constant 0 : i32
      %dma_start3A_96 = arith.constant 0 : i32
      %dma_start3A_97 = tpu.memref_slice %arg4[%add3A, %dma_start3A, %dma_start3A_95, %dma_start3A_96] : memref<32x16x4x128xi32, #tpu.memory_space<hbm>> -> memref<1x16x4x128xi32, #tpu.memory_space<hbm>>
      %dma_start3A_98 = tpu.memref_squeeze %dma_start3A_97 : memref<1x16x4x128xi32, #tpu.memory_space<hbm>> -> memref<16x4x128xi32, #tpu.memory_space<hbm>>
      %dma_start3A_99 = arith.constant 0 : i32
      %dma_start3A_100 = arith.constant 0 : i32
      %dma_start3A_101 = arith.constant 0 : i32
      %dma_start3A_102 = tpu.memref_slice %arg4[%add3A, %dma_start3A_99, %dma_start3A_100, %dma_start3A_101] : memref<32x16x4x128xi32, #tpu.memory_space<hbm>> -> memref<1x16x4x128xi32, #tpu.memory_space<hbm>>
      %dma_start3A_103 = tpu.memref_squeeze %dma_start3A_102 : memref<1x16x4x128xi32, #tpu.memory_space<hbm>> -> memref<16x4x128xi32, #tpu.memory_space<hbm>>
      tpu.enqueue_dma source(%dma_start3A_103 : memref<16x4x128xi32, #tpu.memory_space<hbm>>) target(%arg10 : memref<16x4x128xi32, #tpu.memory_space<vmem>>) target_semaphore(%run_scoped3A : memref<!tpu.dma_semaphore, #tpu.memory_space<semaphore_mem>>)
      %dma_wait3A_104 = arith.constant 0 : i32
      %dma_wait3A_105 = arith.constant 0 : i32
      %dma_wait3A_106 = arith.constant 0 : i32
      %dma_wait3A_107 = tpu.memref_slice %arg4[%add3A, %dma_wait3A_104, %dma_wait3A_105, %dma_wait3A_106] : memref<32x16x4x128xi32, #tpu.memory_space<hbm>> -> memref<1x16x4x128xi32, #tpu.memory_space<hbm>>
      %dma_wait3A_108 = tpu.memref_squeeze %dma_wait3A_107 : memref<1x16x4x128xi32, #tpu.memory_space<hbm>> -> memref<16x4x128xi32, #tpu.memory_space<hbm>>
      %dma_wait3A_109 = arith.constant 0 : i32
      %dma_wait3A_110 = arith.constant 0 : i32
      %dma_wait3A_111 = arith.constant 0 : i32
      %dma_wait3A_112 = tpu.memref_slice %arg4[%add3A, %dma_wait3A_109, %dma_wait3A_110, %dma_wait3A_111] : memref<32x16x4x128xi32, #tpu.memory_space<hbm>> -> memref<1x16x4x128xi32, #tpu.memory_space<hbm>>
      %dma_wait3A_113 = tpu.memref_squeeze %dma_wait3A_112 : memref<1x16x4x128xi32, #tpu.memory_space<hbm>> -> memref<16x4x128xi32, #tpu.memory_space<hbm>>
      tpu.wait_dma2 semaphore(%run_scoped3A : memref<!tpu.dma_semaphore, #tpu.memory_space<semaphore_mem>>) src(%dma_wait3A_113 : memref<16x4x128xi32, #tpu.memory_space<hbm>>) dst(%arg10 : memref<16x4x128xi32, #tpu.memory_space<vmem>>)
      tpu.yield
    }) : () -> ()
    %scan3A = arith.constant 0 : i32
    %scan3A_1 = arith.constant 0 : i32
    %scan3A_2 = arith.constant 32 : i32
    %scan3A_3 = arith.addi %scan3A_1, %scan3A_2 : i32
    %scan3A_4 = arith.constant 1 : i32
    scf.for %scan3A_95 = %scan3A_1 to %scan3A_3 step %scan3A_4  : i32 {
      %jit3A = arith.constant 8 : i32
      %div3A = arith.divsi %scan3A_95, %jit3A : i32
      %sign3A = arith.constant 0 : i32
      %sign3A_96 = arith.cmpi sgt, %scan3A_95, %sign3A : i32
      %sign3A_97 = arith.extui %sign3A_96 : i1 to i32
      %sign3A_98 = arith.constant 0 : i32
      %sign3A_99 = arith.cmpi slt, %scan3A_95, %sign3A_98 : i32
      %sign3A_100 = arith.extui %sign3A_99 : i1 to i32
      %sign3A_101 = arith.subi %sign3A_97, %sign3A_100 : i32
      %sign3A_102 = arith.constant 0 : i32
      %sign3A_103 = arith.cmpi sgt, %jit3A, %sign3A_102 : i32
      %sign3A_104 = arith.extui %sign3A_103 : i1 to i32
      %sign3A_105 = arith.constant 0 : i32
      %sign3A_106 = arith.cmpi slt, %jit3A, %sign3A_105 : i32
      %sign3A_107 = arith.extui %sign3A_106 : i1 to i32
      %sign3A_108 = arith.subi %sign3A_104, %sign3A_107 : i32
      %ne3A = arith.cmpi ne, %sign3A_101, %sign3A_108 : i32
      %rem3A = arith.remsi %scan3A_95, %jit3A : i32
      %ne3A_109 = arith.constant 0 : i32
      %ne3A_110 = arith.cmpi ne, %rem3A, %ne3A_109 : i32
      %and3A = arith.andi %ne3A, %ne3A_110 : i1
      %sub3A = arith.constant 1 : i32
      %sub3A_111 = arith.subi %div3A, %sub3A : i32
      %select_n3A = arith.select %and3A, %sub3A_111, %div3A : i32
      %jit3A_112 = arith.constant 8 : i32
      %eq3A = arith.constant 0 : i32
      %eq3A_113 = arith.cmpi eq, %jit3A_112, %eq3A : i32
      %jit3A_114 = arith.constant 1 : i32
      %select_n3A_115 = arith.select %eq3A_113, %jit3A_114, %jit3A_112 : i32
      %rem3A_116 = arith.remsi %scan3A_95, %select_n3A_115 : i32
      %ne3A_117 = arith.constant 0 : i32
      %ne3A_118 = arith.cmpi ne, %rem3A_116, %ne3A_117 : i32
      %lt3A = arith.constant 0 : i32
      %lt3A_119 = arith.cmpi slt, %rem3A_116, %lt3A : i32
      %lt3A_120 = arith.constant 0 : i32
      %lt3A_121 = arith.cmpi slt, %select_n3A_115, %lt3A_120 : i32
      %ne3A_122 = arith.xori %lt3A_119, %lt3A_121 : i1
      %and3A_123 = arith.andi %ne3A_122, %ne3A_118 : i1
      %add3A_124 = arith.addi %rem3A_116, %select_n3A_115 : i32
      %select_n3A_125 = arith.select %and3A_123, %add3A_124, %rem3A_116 : i32
      %mul3A_126 = arith.constant 16 : i32
      %mul3A_127 = arith.muli %select_n3A_125, %mul3A_126 : i32
      %multiple_of3A_128 = tpu.assume_multiple %mul3A_127, 16 : i32
      %get3A_129 = arith.index_cast %select_n3A : i32 to index
      %get3A_130 = arith.index_cast %multiple_of3A_128 : i32 to index
      %get3A_131 = tpu.vector_load %arg7[%get3A_129, %get3A_130] {strides = array<i32>} : memref<4x128xi32, #tpu.memory_space<vmem>>, vector<16xi32>,
      %shift_right_arithmetic3A = arith.constant 7 : i32
      %shift_right_arithmetic3A_132 = vector.broadcast %shift_right_arithmetic3A : i32 to vector<16xi32>
      %shift_right_arithmetic3A_133 = arith.shrsi %get3A_131, %shift_right_arithmetic3A_132 : vector<16xi32>
      %shift_left3A = arith.constant 10 : i32
      %shift_left3A_134 = vector.broadcast %shift_left3A : i32 to vector<16xi32>
      %shift_left3A_135 = arith.shli %shift_right_arithmetic3A_133, %shift_left3A_134 : vector<16xi32>
      %and3A_136 = arith.constant 127 : i32
      %and3A_137 = vector.broadcast %and3A_136 : i32 to vector<16xi32>
      %and3A_138 = arith.andi %get3A_131, %and3A_137 : vector<16xi32>
      %or3A = arith.ori %shift_left3A_135, %and3A_138 : vector<16xi32>
      %swap3A = arith.index_cast %select_n3A : i32 to index
      %swap3A_139 = arith.index_cast %multiple_of3A_128 : i32 to index
      %swap3A_140 = tpu.vector_load %arg8[%swap3A, %swap3A_139] {strides = array<i32>} : memref<4x128xi32, #tpu.memory_space<vmem>>, vector<16xi32>,
      tpu.vector_store %arg8[%swap3A, %swap3A_139], %or3A {strides = array<i32>} : memref<4x128xi32, #tpu.memory_space<vmem>>, vector<16xi32>,
    }
    %scan3A_5 = arith.constant 32 : i32
    %scan3A_6 = arith.constant 0 : i32
    %scan3A_7 = arith.constant 0 : i32
    %scan3A_8 = arith.constant 16 : i32
    %scan3A_9 = arith.addi %scan3A_7, %scan3A_8 : i32
    %scan3A_10 = arith.constant 1 : i32
    scf.for %scan3A_95 = %scan3A_7 to %scan3A_9 step %scan3A_10  : i32 {
      %shift_right_arithmetic3A = arith.constant 3 : i32
      %shift_right_arithmetic3A_96 = arith.shrsi %scan3A_95, %shift_right_arithmetic3A : i32
      %mul3A_97 = arith.constant 8000512 : i32
      %mul3A_98 = arith.muli %shift_right_arithmetic3A_96, %mul3A_97 : i32
      %and3A = arith.constant 7 : i32
      %and3A_99 = arith.andi %scan3A_95, %and3A : i32
      %mul3A_100 = arith.constant 128 : i32
      %mul3A_101 = arith.muli %and3A_99, %mul3A_100 : i32
      %add3A_102 = arith.addi %mul3A_98, %mul3A_101 : i32
      %scan3A_103 = arith.constant 0 : i32
      %scan3A_104 = arith.constant 0 : i32
      %scan3A_105 = arith.constant 32 : i32
      %scan3A_106 = arith.addi %scan3A_104, %scan3A_105 : i32
      %scan3A_107 = arith.constant 1 : i32
      scf.for %scan3A_148 = %scan3A_104 to %scan3A_106 step %scan3A_107  : i32 {
        %jit3A = arith.constant 8 : i32
        %div3A = arith.divsi %scan3A_148, %jit3A : i32
        %sign3A = arith.constant 0 : i32
        %sign3A_149 = arith.cmpi sgt, %scan3A_148, %sign3A : i32
        %sign3A_150 = arith.extui %sign3A_149 : i1 to i32
        %sign3A_151 = arith.constant 0 : i32
        %sign3A_152 = arith.cmpi slt, %scan3A_148, %sign3A_151 : i32
        %sign3A_153 = arith.extui %sign3A_152 : i1 to i32
        %sign3A_154 = arith.subi %sign3A_150, %sign3A_153 : i32
        %sign3A_155 = arith.constant 0 : i32
        %sign3A_156 = arith.cmpi sgt, %jit3A, %sign3A_155 : i32
        %sign3A_157 = arith.extui %sign3A_156 : i1 to i32
        %sign3A_158 = arith.constant 0 : i32
        %sign3A_159 = arith.cmpi slt, %jit3A, %sign3A_158 : i32
        %sign3A_160 = arith.extui %sign3A_159 : i1 to i32
        %sign3A_161 = arith.subi %sign3A_157, %sign3A_160 : i32
        %ne3A = arith.cmpi ne, %sign3A_154, %sign3A_161 : i32
        %rem3A = arith.remsi %scan3A_148, %jit3A : i32
        %ne3A_162 = arith.constant 0 : i32
        %ne3A_163 = arith.cmpi ne, %rem3A, %ne3A_162 : i32
        %and3A_164 = arith.andi %ne3A, %ne3A_163 : i1
        %sub3A = arith.constant 1 : i32
        %sub3A_165 = arith.subi %div3A, %sub3A : i32
        %select_n3A = arith.select %and3A_164, %sub3A_165, %div3A : i32
        %jit3A_166 = arith.constant 8 : i32
        %eq3A = arith.constant 0 : i32
        %eq3A_167 = arith.cmpi eq, %jit3A_166, %eq3A : i32
        %jit3A_168 = arith.constant 1 : i32
        %select_n3A_169 = arith.select %eq3A_167, %jit3A_168, %jit3A_166 : i32
        %rem3A_170 = arith.remsi %scan3A_148, %select_n3A_169 : i32
        %ne3A_171 = arith.constant 0 : i32
        %ne3A_172 = arith.cmpi ne, %rem3A_170, %ne3A_171 : i32
        %lt3A = arith.constant 0 : i32
        %lt3A_173 = arith.cmpi slt, %rem3A_170, %lt3A : i32
        %lt3A_174 = arith.constant 0 : i32
        %lt3A_175 = arith.cmpi slt, %select_n3A_169, %lt3A_174 : i32
        %ne3A_176 = arith.xori %lt3A_173, %lt3A_175 : i1
        %and3A_177 = arith.andi %ne3A_176, %ne3A_172 : i1
        %add3A_178 = arith.addi %rem3A_170, %select_n3A_169 : i32
        %select_n3A_179 = arith.select %and3A_177, %add3A_178, %rem3A_170 : i32
        %mul3A_180 = arith.constant 16 : i32
        %mul3A_181 = arith.muli %select_n3A_179, %mul3A_180 : i32
        %multiple_of3A_182 = tpu.assume_multiple %mul3A_181, 16 : i32
        %get3A_183 = arith.index_cast %select_n3A : i32 to index
        %get3A_184 = arith.index_cast %multiple_of3A_182 : i32 to index
        %get3A_185 = tpu.vector_load %arg8[%get3A_183, %get3A_184] {strides = array<i32>} : memref<4x128xi32, #tpu.memory_space<vmem>>, vector<16xi32>,
        %add3A_186 = vector.broadcast %add3A_102 : i32 to vector<16xi32>
        %add3A_187 = arith.addi %get3A_185, %add3A_186 : vector<16xi32>
        %swap3A = arith.index_cast %scan3A_95 : i32 to index
        %swap3A_188 = arith.index_cast %select_n3A : i32 to index
        %swap3A_189 = arith.index_cast %multiple_of3A_182 : i32 to index
        %swap3A_190 = tpu.vector_load %arg9[%swap3A, %swap3A_188, %swap3A_189] {strides = array<i32>} : memref<16x4x128xi32, #tpu.memory_space<vmem>>, vector<16xi32>,
        tpu.vector_store %arg9[%swap3A, %swap3A_188, %swap3A_189], %add3A_187 {strides = array<i32>} : memref<16x4x128xi32, #tpu.memory_space<vmem>>, vector<16xi32>,
      }
      %scan3A_108 = arith.constant 32 : i32
      %dma_start3A = arith.constant 0 : i32
      %dma_start3A_109 = arith.constant 0 : i32
      %dma_start3A_110 = arith.constant 0 : i32
      %dma_start3A_111 = tpu.memref_slice %arg11[%scan3A_95, %dma_start3A_109, %dma_start3A_110] : memref<16x4x128xi32, #tpu.memory_space<vmem>> -> memref<1x1x128xi32, #tpu.memory_space<vmem>>
      %dma_start3A_112 = tpu.memref_squeeze %dma_start3A_111 : memref<1x1x128xi32, #tpu.memory_space<vmem>> -> memref<128xi32, #tpu.memory_space<vmem>>
      %dma_start3A_113 = arith.constant 0 : i32
      %dma_start3A_114 = tpu.memref_slice %arg9[%scan3A_95, %dma_start3A, %dma_start3A_113] : memref<16x4x128xi32, #tpu.memory_space<vmem>> -> memref<1x1x128xi32, #tpu.memory_space<vmem>>
      %dma_start3A_115 = tpu.memref_squeeze %dma_start3A_114 : memref<1x1x128xi32, #tpu.memory_space<vmem>> -> memref<128xi32, #tpu.memory_space<vmem>>
      %dma_start3A_116 = arith.constant 0 : i32
      %dma_start3A_117 = tpu.memref_slice %arg2[%dma_start3A_116] : memref<16001024xi32, #tpu.memory_space<hbm>> -> memref<16001024xi32, #tpu.memory_space<hbm>>
      tpu.enqueue_indirect_dma source(%dma_start3A_117 : memref<16001024xi32, #tpu.memory_space<hbm>>) target(%dma_start3A_112 : memref<128xi32, #tpu.memory_space<vmem>>) offsets(%dma_start3A_115 : memref<128xi32, #tpu.memory_space<vmem>>) semaphore(%arg14 : memref<!tpu.dma_semaphore, #tpu.memory_space<semaphore_mem>>)
      %dma_start3A_118 = arith.constant 1 : i32
      %dma_start3A_119 = arith.constant 1 : i32
      %dma_start3A_120 = arith.constant 0 : i32
      %dma_start3A_121 = tpu.memref_slice %arg11[%scan3A_95, %dma_start3A_119, %dma_start3A_120] : memref<16x4x128xi32, #tpu.memory_space<vmem>> -> memref<1x1x128xi32, #tpu.memory_space<vmem>>
      %dma_start3A_122 = tpu.memref_squeeze %dma_start3A_121 : memref<1x1x128xi32, #tpu.memory_space<vmem>> -> memref<128xi32, #tpu.memory_space<vmem>>
      %dma_start3A_123 = arith.constant 0 : i32
      %dma_start3A_124 = tpu.memref_slice %arg9[%scan3A_95, %dma_start3A_118, %dma_start3A_123] : memref<16x4x128xi32, #tpu.memory_space<vmem>> -> memref<1x1x128xi32, #tpu.memory_space<vmem>>
      %dma_start3A_125 = tpu.memref_squeeze %dma_start3A_124 : memref<1x1x128xi32, #tpu.memory_space<vmem>> -> memref<128xi32, #tpu.memory_space<vmem>>
      %dma_start3A_126 = arith.constant 0 : i32
      %dma_start3A_127 = tpu.memref_slice %arg2[%dma_start3A_126] : memref<16001024xi32, #tpu.memory_space<hbm>> -> memref<16001024xi32, #tpu.memory_space<hbm>>
      tpu.enqueue_indirect_dma source(%dma_start3A_127 : memref<16001024xi32, #tpu.memory_space<hbm>>) target(%dma_start3A_122 : memref<128xi32, #tpu.memory_space<vmem>>) offsets(%dma_start3A_125 : memref<128xi32, #tpu.memory_space<vmem>>) semaphore(%arg14 : memref<!tpu.dma_semaphore, #tpu.memory_space<semaphore_mem>>)
      %dma_start3A_128 = arith.constant 2 : i32
      %dma_start3A_129 = arith.constant 2 : i32
      %dma_start3A_130 = arith.constant 0 : i32
      %dma_start3A_131 = tpu.memref_slice %arg11[%scan3A_95, %dma_start3A_129, %dma_start3A_130] : memref<16x4x128xi32, #tpu.memory_space<vmem>> -> memref<1x1x128xi32, #tpu.memory_space<vmem>>
      %dma_start3A_132 = tpu.memref_squeeze %dma_start3A_131 : memref<1x1x128xi32, #tpu.memory_space<vmem>> -> memref<128xi32, #tpu.memory_space<vmem>>
      %dma_start3A_133 = arith.constant 0 : i32
      %dma_start3A_134 = tpu.memref_slice %arg9[%scan3A_95, %dma_start3A_128, %dma_start3A_133] : memref<16x4x128xi32, #tpu.memory_space<vmem>> -> memref<1x1x128xi32, #tpu.memory_space<vmem>>
      %dma_start3A_135 = tpu.memref_squeeze %dma_start3A_134 : memref<1x1x128xi32, #tpu.memory_space<vmem>> -> memref<128xi32, #tpu.memory_space<vmem>>
      %dma_start3A_136 = arith.constant 0 : i32
      %dma_start3A_137 = tpu.memref_slice %arg2[%dma_start3A_136] : memref<16001024xi32, #tpu.memory_space<hbm>> -> memref<16001024xi32, #tpu.memory_space<hbm>>
      tpu.enqueue_indirect_dma source(%dma_start3A_137 : memref<16001024xi32, #tpu.memory_space<hbm>>) target(%dma_start3A_132 : memref<128xi32, #tpu.memory_space<vmem>>) offsets(%dma_start3A_135 : memref<128xi32, #tpu.memory_space<vmem>>) semaphore(%arg14 : memref<!tpu.dma_semaphore, #tpu.memory_space<semaphore_mem>>)
      %dma_start3A_138 = arith.constant 3 : i32
      %dma_start3A_139 = arith.constant 3 : i32
      %dma_start3A_140 = arith.constant 0 : i32
      %dma_start3A_141 = tpu.memref_slice %arg11[%scan3A_95, %dma_start3A_139, %dma_start3A_140] : memref<16x4x128xi32, #tpu.memory_space<vmem>> -> memref<1x1x128xi32, #tpu.memory_space<vmem>>
      %dma_start3A_142 = tpu.memref_squeeze %dma_start3A_141 : memref<1x1x128xi32, #tpu.memory_space<vmem>> -> memref<128xi32, #tpu.memory_space<vmem>>
      %dma_start3A_143 = arith.constant 0 : i32
      %dma_start3A_144 = tpu.memref_slice %arg9[%scan3A_95, %dma_start3A_138, %dma_start3A_143] : memref<16x4x128xi32, #tpu.memory_space<vmem>> -> memref<1x1x128xi32, #tpu.memory_space<vmem>>
      %dma_start3A_145 = tpu.memref_squeeze %dma_start3A_144 : memref<1x1x128xi32, #tpu.memory_space<vmem>> -> memref<128xi32, #tpu.memory_space<vmem>>
      %dma_start3A_146 = arith.constant 0 : i32
      %dma_start3A_147 = tpu.memref_slice %arg2[%dma_start3A_146] : memref<16001024xi32, #tpu.memory_space<hbm>> -> memref<16001024xi32, #tpu.memory_space<hbm>>
      tpu.enqueue_indirect_dma source(%dma_start3A_147 : memref<16001024xi32, #tpu.memory_space<hbm>>) target(%dma_start3A_142 : memref<128xi32, #tpu.memory_space<vmem>>) offsets(%dma_start3A_145 : memref<128xi32, #tpu.memory_space<vmem>>) semaphore(%arg14 : memref<!tpu.dma_semaphore, #tpu.memory_space<semaphore_mem>>)
    }
    %scan3A_11 = arith.constant 16 : i32
    %dma_wait3A = arith.constant 0 : i32
    %dma_wait3A_12 = arith.constant 0 : i32
    %dma_wait3A_13 = arith.constant 0 : i32
    %dma_wait3A_14 = tpu.memref_slice %arg3[%dma_wait3A, %dma_wait3A_12, %dma_wait3A_13] : memref<32x4x128xi32, #tpu.memory_space<hbm>> -> memref<16x4x128xi32, #tpu.memory_space<hbm>>
    %dma_wait3A_15 = arith.constant 0 : i32
    %dma_wait3A_16 = arith.constant 0 : i32
    %dma_wait3A_17 = arith.constant 0 : i32
    %dma_wait3A_18 = tpu.memref_slice %arg3[%dma_wait3A_15, %dma_wait3A_16, %dma_wait3A_17] : memref<32x4x128xi32, #tpu.memory_space<hbm>> -> memref<16x4x128xi32, #tpu.memory_space<hbm>>
    tpu.wait_dma2 semaphore(%arg14 : memref<!tpu.dma_semaphore, #tpu.memory_space<semaphore_mem>>) src(%dma_wait3A_18 : memref<16x4x128xi32, #tpu.memory_space<hbm>>) dst(%arg11 : memref<16x4x128xi32, #tpu.memory_space<vmem>>)
    %get3A = arith.constant 0 : index
    %get3A_19 = tpu.vector_load %arg12[%get3A] {strides = array<i32>} : memref<48xf32, #tpu.memory_space<vmem>>, vector<16xf32>,
    %get3A_20 = arith.constant 16 : index
    %get3A_21 = tpu.vector_load %arg12[%get3A_20] {strides = array<i32>} : memref<48xf32, #tpu.memory_space<vmem>>, vector<16xf32>,
    %slice3A = vector.extract_strided_slice %get3A_19 {offsets = [0], sizes = [1], strides = [1]} : vector<16xf32> to vector<1xf32>
    %squeeze3A = vector.extract %slice3A[0] : f32 from vector<1xf32>
    %slice3A_22 = vector.extract_strided_slice %get3A_19 {offsets = [1], sizes = [1], strides = [1]} : vector<16xf32> to vector<1xf32>
    %squeeze3A_23 = vector.extract %slice3A_22[0] : f32 from vector<1xf32>
    %slice3A_24 = vector.extract_strided_slice %get3A_19 {offsets = [2], sizes = [1], strides = [1]} : vector<16xf32> to vector<1xf32>
    %squeeze3A_25 = vector.extract %slice3A_24[0] : f32 from vector<1xf32>
    %slice3A_26 = vector.extract_strided_slice %get3A_19 {offsets = [3], sizes = [1], strides = [1]} : vector<16xf32> to vector<1xf32>
    %squeeze3A_27 = vector.extract %slice3A_26[0] : f32 from vector<1xf32>
    %slice3A_28 = vector.extract_strided_slice %get3A_19 {offsets = [4], sizes = [1], strides = [1]} : vector<16xf32> to vector<1xf32>
    %squeeze3A_29 = vector.extract %slice3A_28[0] : f32 from vector<1xf32>
    %slice3A_30 = vector.extract_strided_slice %get3A_19 {offsets = [5], sizes = [1], strides = [1]} : vector<16xf32> to vector<1xf32>
    %squeeze3A_31 = vector.extract %slice3A_30[0] : f32 from vector<1xf32>
    %slice3A_32 = vector.extract_strided_slice %get3A_19 {offsets = [6], sizes = [1], strides = [1]} : vector<16xf32> to vector<1xf32>
    %squeeze3A_33 = vector.extract %slice3A_32[0] : f32 from vector<1xf32>
    %slice3A_34 = vector.extract_strided_slice %get3A_19 {offsets = [7], sizes = [1], strides = [1]} : vector<16xf32> to vector<1xf32>
    %squeeze3A_35 = vector.extract %slice3A_34[0] : f32 from vector<1xf32>
    %slice3A_36 = vector.extract_strided_slice %get3A_19 {offsets = [8], sizes = [1], strides = [1]} : vector<16xf32> to vector<1xf32>
    %squeeze3A_37 = vector.extract %slice3A_36[0] : f32 from vector<1xf32>
    %slice3A_38 = vector.extract_strided_slice %get3A_19 {offsets = [9], sizes = [1], strides = [1]} : vector<16xf32> to vector<1xf32>
    %squeeze3A_39 = vector.extract %slice3A_38[0] : f32 from vector<1xf32>
    %slice3A_40 = vector.extract_strided_slice %get3A_19 {offsets = [10], sizes = [1], strides = [1]} : vector<16xf32> to vector<1xf32>
    %squeeze3A_41 = vector.extract %slice3A_40[0] : f32 from vector<1xf32>
    %slice3A_42 = vector.extract_strided_slice %get3A_19 {offsets = [11], sizes = [1], strides = [1]} : vector<16xf32> to vector<1xf32>
    %squeeze3A_43 = vector.extract %slice3A_42[0] : f32 from vector<1xf32>
    %slice3A_44 = vector.extract_strided_slice %get3A_19 {offsets = [12], sizes = [1], strides = [1]} : vector<16xf32> to vector<1xf32>
    %squeeze3A_45 = vector.extract %slice3A_44[0] : f32 from vector<1xf32>
    %slice3A_46 = vector.extract_strided_slice %get3A_19 {offsets = [13], sizes = [1], strides = [1]} : vector<16xf32> to vector<1xf32>
    %squeeze3A_47 = vector.extract %slice3A_46[0] : f32 from vector<1xf32>
    %slice3A_48 = vector.extract_strided_slice %get3A_19 {offsets = [14], sizes = [1], strides = [1]} : vector<16xf32> to vector<1xf32>
    %squeeze3A_49 = vector.extract %slice3A_48[0] : f32 from vector<1xf32>
    %slice3A_50 = vector.extract_strided_slice %get3A_19 {offsets = [15], sizes = [1], strides = [1]} : vector<16xf32> to vector<1xf32>
    %squeeze3A_51 = vector.extract %slice3A_50[0] : f32 from vector<1xf32>
    %slice3A_52 = vector.extract_strided_slice %get3A_21 {offsets = [0], sizes = [1], strides = [1]} : vector<16xf32> to vector<1xf32>
    %squeeze3A_53 = vector.extract %slice3A_52[0] : f32 from vector<1xf32>
    %slice3A_54 = vector.extract_strided_slice %get3A_21 {offsets = [1], sizes = [1], strides = [1]} : vector<16xf32> to vector<1xf32>
    %squeeze3A_55 = vector.extract %slice3A_54[0] : f32 from vector<1xf32>
    %slice3A_56 = vector.extract_strided_slice %get3A_21 {offsets = [2], sizes = [1], strides = [1]} : vector<16xf32> to vector<1xf32>
    %squeeze3A_57 = vector.extract %slice3A_56[0] : f32 from vector<1xf32>
    %slice3A_58 = vector.extract_strided_slice %get3A_21 {offsets = [3], sizes = [1], strides = [1]} : vector<16xf32> to vector<1xf32>
    %squeeze3A_59 = vector.extract %slice3A_58[0] : f32 from vector<1xf32>
    %slice3A_60 = vector.extract_strided_slice %get3A_21 {offsets = [4], sizes = [1], strides = [1]} : vector<16xf32> to vector<1xf32>
    %squeeze3A_61 = vector.extract %slice3A_60[0] : f32 from vector<1xf32>
    %slice3A_62 = vector.extract_strided_slice %get3A_21 {offsets = [5], sizes = [1], strides = [1]} : vector<16xf32> to vector<1xf32>
    %squeeze3A_63 = vector.extract %slice3A_62[0] : f32 from vector<1xf32>
    %slice3A_64 = vector.extract_strided_slice %get3A_21 {offsets = [6], sizes = [1], strides = [1]} : vector<16xf32> to vector<1xf32>
    %squeeze3A_65 = vector.extract %slice3A_64[0] : f32 from vector<1xf32>
    %slice3A_66 = vector.extract_strided_slice %get3A_21 {offsets = [7], sizes = [1], strides = [1]} : vector<16xf32> to vector<1xf32>
    %squeeze3A_67 = vector.extract %slice3A_66[0] : f32 from vector<1xf32>
    %slice3A_68 = vector.extract_strided_slice %get3A_21 {offsets = [8], sizes = [1], strides = [1]} : vector<16xf32> to vector<1xf32>
    %squeeze3A_69 = vector.extract %slice3A_68[0] : f32 from vector<1xf32>
    %slice3A_70 = vector.extract_strided_slice %get3A_21 {offsets = [9], sizes = [1], strides = [1]} : vector<16xf32> to vector<1xf32>
    %squeeze3A_71 = vector.extract %slice3A_70[0] : f32 from vector<1xf32>
    %slice3A_72 = vector.extract_strided_slice %get3A_21 {offsets = [10], sizes = [1], strides = [1]} : vector<16xf32> to vector<1xf32>
    %squeeze3A_73 = vector.extract %slice3A_72[0] : f32 from vector<1xf32>
    %slice3A_74 = vector.extract_strided_slice %get3A_21 {offsets = [11], sizes = [1], strides = [1]} : vector<16xf32> to vector<1xf32>
    %squeeze3A_75 = vector.extract %slice3A_74[0] : f32 from vector<1xf32>
    %slice3A_76 = vector.extract_strided_slice %get3A_21 {offsets = [12], sizes = [1], strides = [1]} : vector<16xf32> to vector<1xf32>
    %squeeze3A_77 = vector.extract %slice3A_76[0] : f32 from vector<1xf32>
    %slice3A_78 = vector.extract_strided_slice %get3A_21 {offsets = [13], sizes = [1], strides = [1]} : vector<16xf32> to vector<1xf32>
    %squeeze3A_79 = vector.extract %slice3A_78[0] : f32 from vector<1xf32>
    %slice3A_80 = vector.extract_strided_slice %get3A_21 {offsets = [14], sizes = [1], strides = [1]} : vector<16xf32> to vector<1xf32>
    %squeeze3A_81 = vector.extract %slice3A_80[0] : f32 from vector<1xf32>
    %slice3A_82 = vector.extract_strided_slice %get3A_21 {offsets = [15], sizes = [1], strides = [1]} : vector<16xf32> to vector<1xf32>
    %squeeze3A_83 = vector.extract %slice3A_82[0] : f32 from vector<1xf32>
    %multiple_of3A = arith.constant 32 : i32
    %multiple_of3A_84 = tpu.assume_multiple %multiple_of3A, 16 : i32
    %get3A_85 = arith.index_cast %multiple_of3A_84 : i32 to index
    %get3A_86 = tpu.vector_load %arg12[%get3A_85] {strides = array<i32>} : memref<48xf32, #tpu.memory_space<vmem>>, vector<16xf32>,
    %slice3A_87 = vector.extract_strided_slice %get3A_86 {offsets = [0], sizes = [1], strides = [1]} : vector<16xf32> to vector<1xf32>
    %squeeze3A_88 = vector.extract %slice3A_87[0] : f32 from vector<1xf32>
    %scan3A_89 = arith.constant 0 : i32
    %scan3A_90 = arith.constant 0 : i32
    %scan3A_91 = arith.constant 32 : i32
    %scan3A_92 = arith.addi %scan3A_90, %scan3A_91 : i32
    %scan3A_93 = arith.constant 1 : i32
    scf.for %scan3A_95 = %scan3A_90 to %scan3A_92 step %scan3A_93  : i32 {
      %shift_right_arithmetic3A = arith.constant 3 : i32
      %shift_right_arithmetic3A_96 = arith.shrsi %scan3A_95, %shift_right_arithmetic3A : i32
      %and3A = arith.constant 7 : i32
      %and3A_97 = arith.andi %scan3A_95, %and3A : i32
      %mul3A_98 = arith.constant 16 : i32
      %mul3A_99 = arith.muli %and3A_97, %mul3A_98 : i32
      %multiple_of3A_100 = tpu.assume_multiple %mul3A_99, 16 : i32
      %broadcast_in_dim3A = arith.constant 0.000000e+00 : f32
      %broadcast_in_dim3A_101 = vector.broadcast %broadcast_in_dim3A : f32 to vector<16xf32>
      %get3A_102 = arith.constant 0 : i32
      %get3A_103 = arith.index_cast %get3A_102 : i32 to index
      %get3A_104 = arith.index_cast %shift_right_arithmetic3A_96 : i32 to index
      %get3A_105 = arith.index_cast %multiple_of3A_100 : i32 to index
      %get3A_106 = tpu.vector_load %arg10[%get3A_103, %get3A_104, %get3A_105] {strides = array<i32>} : memref<16x4x128xi32, #tpu.memory_space<vmem>>, vector<16xi32>,
      %get3A_107 = arith.constant 0 : i32
      %get3A_108 = arith.index_cast %get3A_107 : i32 to index
      %get3A_109 = arith.index_cast %shift_right_arithmetic3A_96 : i32 to index
      %get3A_110 = arith.index_cast %multiple_of3A_100 : i32 to index
      %get3A_111 = tpu.vector_load %arg11[%get3A_108, %get3A_109, %get3A_110] {strides = array<i32>} : memref<16x4x128xi32, #tpu.memory_space<vmem>>, vector<16xi32>,
      %shift_left3A = arith.constant 16 : i32
      %shift_left3A_112 = vector.broadcast %shift_left3A : i32 to vector<16xi32>
      %shift_left3A_113 = arith.shli %get3A_106, %shift_left3A_112 : vector<16xi32>
      %bitcast3A = vector.bitcast %shift_left3A_113 : vector<16xi32> to vector<16xf32>
      %and3A_114 = arith.constant -65536 : i32
      %and3A_115 = vector.broadcast %and3A_114 : i32 to vector<16xi32>
      %and3A_116 = arith.andi %get3A_106, %and3A_115 : vector<16xi32>
      %bitcast3A_117 = vector.bitcast %and3A_116 : vector<16xi32> to vector<16xf32>
      %shift_left3A_118 = arith.constant 16 : i32
      %shift_left3A_119 = vector.broadcast %shift_left3A_118 : i32 to vector<16xi32>
      %shift_left3A_120 = arith.shli %get3A_111, %shift_left3A_119 : vector<16xi32>
      %bitcast3A_121 = vector.bitcast %shift_left3A_120 : vector<16xi32> to vector<16xf32>
      %and3A_122 = arith.constant -65536 : i32
      %and3A_123 = vector.broadcast %and3A_122 : i32 to vector<16xi32>
      %and3A_124 = arith.andi %get3A_111, %and3A_123 : vector<16xi32>
      %bitcast3A_125 = vector.bitcast %and3A_124 : vector<16xi32> to vector<16xf32>
      %mul3A_126 = arith.mulf %bitcast3A, %bitcast3A_121 : vector<16xf32>
      %mul3A_127 = vector.broadcast %squeeze3A : f32 to vector<16xf32>
      %mul3A_128 = arith.mulf %mul3A_126, %mul3A_127 : vector<16xf32>
      %add3A_129 = arith.addf %broadcast_in_dim3A_101, %mul3A_128 : vector<16xf32>
      %mul3A_130 = arith.mulf %bitcast3A_117, %bitcast3A_125 : vector<16xf32>
      %mul3A_131 = vector.broadcast %squeeze3A_23 : f32 to vector<16xf32>
      %mul3A_132 = arith.mulf %mul3A_130, %mul3A_131 : vector<16xf32>
      %add3A_133 = arith.addf %add3A_129, %mul3A_132 : vector<16xf32>
      %get3A_134 = arith.constant 1 : i32
      %get3A_135 = arith.index_cast %get3A_134 : i32 to index
      %get3A_136 = arith.index_cast %shift_right_arithmetic3A_96 : i32 to index
      %get3A_137 = arith.index_cast %multiple_of3A_100 : i32 to index
      %get3A_138 = tpu.vector_load %arg10[%get3A_135, %get3A_136, %get3A_137] {strides = array<i32>} : memref<16x4x128xi32, #tpu.memory_space<vmem>>, vector<16xi32>,
      %get3A_139 = arith.constant 1 : i32
      %get3A_140 = arith.index_cast %get3A_139 : i32 to index
      %get3A_141 = arith.index_cast %shift_right_arithmetic3A_96 : i32 to index
      %get3A_142 = arith.index_cast %multiple_of3A_100 : i32 to index
      %get3A_143 = tpu.vector_load %arg11[%get3A_140, %get3A_141, %get3A_142] {strides = array<i32>} : memref<16x4x128xi32, #tpu.memory_space<vmem>>, vector<16xi32>,
      %shift_left3A_144 = arith.constant 16 : i32
      %shift_left3A_145 = vector.broadcast %shift_left3A_144 : i32 to vector<16xi32>
      %shift_left3A_146 = arith.shli %get3A_138, %shift_left3A_145 : vector<16xi32>
      %bitcast3A_147 = vector.bitcast %shift_left3A_146 : vector<16xi32> to vector<16xf32>
      %and3A_148 = arith.constant -65536 : i32
      %and3A_149 = vector.broadcast %and3A_148 : i32 to vector<16xi32>
      %and3A_150 = arith.andi %get3A_138, %and3A_149 : vector<16xi32>
      %bitcast3A_151 = vector.bitcast %and3A_150 : vector<16xi32> to vector<16xf32>
      %shift_left3A_152 = arith.constant 16 : i32
      %shift_left3A_153 = vector.broadcast %shift_left3A_152 : i32 to vector<16xi32>
      %shift_left3A_154 = arith.shli %get3A_143, %shift_left3A_153 : vector<16xi32>
      %bitcast3A_155 = vector.bitcast %shift_left3A_154 : vector<16xi32> to vector<16xf32>
      %and3A_156 = arith.constant -65536 : i32
      %and3A_157 = vector.broadcast %and3A_156 : i32 to vector<16xi32>
      %and3A_158 = arith.andi %get3A_143, %and3A_157 : vector<16xi32>
      %bitcast3A_159 = vector.bitcast %and3A_158 : vector<16xi32> to vector<16xf32>
      %mul3A_160 = arith.mulf %bitcast3A_147, %bitcast3A_155 : vector<16xf32>
      %mul3A_161 = vector.broadcast %squeeze3A_25 : f32 to vector<16xf32>
      %mul3A_162 = arith.mulf %mul3A_160, %mul3A_161 : vector<16xf32>
      %add3A_163 = arith.addf %add3A_133, %mul3A_162 : vector<16xf32>
      %mul3A_164 = arith.mulf %bitcast3A_151, %bitcast3A_159 : vector<16xf32>
      %mul3A_165 = vector.broadcast %squeeze3A_27 : f32 to vector<16xf32>
      %mul3A_166 = arith.mulf %mul3A_164, %mul3A_165 : vector<16xf32>
      %add3A_167 = arith.addf %add3A_163, %mul3A_166 : vector<16xf32>
      %get3A_168 = arith.constant 2 : i32
      %get3A_169 = arith.index_cast %get3A_168 : i32 to index
      %get3A_170 = arith.index_cast %shift_right_arithmetic3A_96 : i32 to index
      %get3A_171 = arith.index_cast %multiple_of3A_100 : i32 to index
      %get3A_172 = tpu.vector_load %arg10[%get3A_169, %get3A_170, %get3A_171] {strides = array<i32>} : memref<16x4x128xi32, #tpu.memory_space<vmem>>, vector<16xi32>,
      %get3A_173 = arith.constant 2 : i32
      %get3A_174 = arith.index_cast %get3A_173 : i32 to index
      %get3A_175 = arith.index_cast %shift_right_arithmetic3A_96 : i32 to index
      %get3A_176 = arith.index_cast %multiple_of3A_100 : i32 to index
      %get3A_177 = tpu.vector_load %arg11[%get3A_174, %get3A_175, %get3A_176] {strides = array<i32>} : memref<16x4x128xi32, #tpu.memory_space<vmem>>, vector<16xi32>,
      %shift_left3A_178 = arith.constant 16 : i32
      %shift_left3A_179 = vector.broadcast %shift_left3A_178 : i32 to vector<16xi32>
      %shift_left3A_180 = arith.shli %get3A_172, %shift_left3A_179 : vector<16xi32>
      %bitcast3A_181 = vector.bitcast %shift_left3A_180 : vector<16xi32> to vector<16xf32>
      %and3A_182 = arith.constant -65536 : i32
      %and3A_183 = vector.broadcast %and3A_182 : i32 to vector<16xi32>
      %and3A_184 = arith.andi %get3A_172, %and3A_183 : vector<16xi32>
      %bitcast3A_185 = vector.bitcast %and3A_184 : vector<16xi32> to vector<16xf32>
      %shift_left3A_186 = arith.constant 16 : i32
      %shift_left3A_187 = vector.broadcast %shift_left3A_186 : i32 to vector<16xi32>
      %shift_left3A_188 = arith.shli %get3A_177, %shift_left3A_187 : vector<16xi32>
      %bitcast3A_189 = vector.bitcast %shift_left3A_188 : vector<16xi32> to vector<16xf32>
      %and3A_190 = arith.constant -65536 : i32
      %and3A_191 = vector.broadcast %and3A_190 : i32 to vector<16xi32>
      %and3A_192 = arith.andi %get3A_177, %and3A_191 : vector<16xi32>
      %bitcast3A_193 = vector.bitcast %and3A_192 : vector<16xi32> to vector<16xf32>
      %mul3A_194 = arith.mulf %bitcast3A_181, %bitcast3A_189 : vector<16xf32>
      %mul3A_195 = vector.broadcast %squeeze3A_29 : f32 to vector<16xf32>
      %mul3A_196 = arith.mulf %mul3A_194, %mul3A_195 : vector<16xf32>
      %add3A_197 = arith.addf %add3A_167, %mul3A_196 : vector<16xf32>
      %mul3A_198 = arith.mulf %bitcast3A_185, %bitcast3A_193 : vector<16xf32>
      %mul3A_199 = vector.broadcast %squeeze3A_31 : f32 to vector<16xf32>
      %mul3A_200 = arith.mulf %mul3A_198, %mul3A_199 : vector<16xf32>
      %add3A_201 = arith.addf %add3A_197, %mul3A_200 : vector<16xf32>
      %get3A_202 = arith.constant 3 : i32
      %get3A_203 = arith.index_cast %get3A_202 : i32 to index
      %get3A_204 = arith.index_cast %shift_right_arithmetic3A_96 : i32 to index
      %get3A_205 = arith.index_cast %multiple_of3A_100 : i32 to index
      %get3A_206 = tpu.vector_load %arg10[%get3A_203, %get3A_204, %get3A_205] {strides = array<i32>} : memref<16x4x128xi32, #tpu.memory_space<vmem>>, vector<16xi32>,
      %get3A_207 = arith.constant 3 : i32
      %get3A_208 = arith.index_cast %get3A_207 : i32 to index
      %get3A_209 = arith.index_cast %shift_right_arithmetic3A_96 : i32 to index
      %get3A_210 = arith.index_cast %multiple_of3A_100 : i32 to index
      %get3A_211 = tpu.vector_load %arg11[%get3A_208, %get3A_209, %get3A_210] {strides = array<i32>} : memref<16x4x128xi32, #tpu.memory_space<vmem>>, vector<16xi32>,
      %shift_left3A_212 = arith.constant 16 : i32
      %shift_left3A_213 = vector.broadcast %shift_left3A_212 : i32 to vector<16xi32>
      %shift_left3A_214 = arith.shli %get3A_206, %shift_left3A_213 : vector<16xi32>
      %bitcast3A_215 = vector.bitcast %shift_left3A_214 : vector<16xi32> to vector<16xf32>
      %and3A_216 = arith.constant -65536 : i32
      %and3A_217 = vector.broadcast %and3A_216 : i32 to vector<16xi32>
      %and3A_218 = arith.andi %get3A_206, %and3A_217 : vector<16xi32>
      %bitcast3A_219 = vector.bitcast %and3A_218 : vector<16xi32> to vector<16xf32>
      %shift_left3A_220 = arith.constant 16 : i32
      %shift_left3A_221 = vector.broadcast %shift_left3A_220 : i32 to vector<16xi32>
      %shift_left3A_222 = arith.shli %get3A_211, %shift_left3A_221 : vector<16xi32>
      %bitcast3A_223 = vector.bitcast %shift_left3A_222 : vector<16xi32> to vector<16xf32>
      %and3A_224 = arith.constant -65536 : i32
      %and3A_225 = vector.broadcast %and3A_224 : i32 to vector<16xi32>
      %and3A_226 = arith.andi %get3A_211, %and3A_225 : vector<16xi32>
      %bitcast3A_227 = vector.bitcast %and3A_226 : vector<16xi32> to vector<16xf32>
      %mul3A_228 = arith.mulf %bitcast3A_215, %bitcast3A_223 : vector<16xf32>
      %mul3A_229 = vector.broadcast %squeeze3A_33 : f32 to vector<16xf32>
      %mul3A_230 = arith.mulf %mul3A_228, %mul3A_229 : vector<16xf32>
      %add3A_231 = arith.addf %add3A_201, %mul3A_230 : vector<16xf32>
      %mul3A_232 = arith.mulf %bitcast3A_219, %bitcast3A_227 : vector<16xf32>
      %mul3A_233 = vector.broadcast %squeeze3A_35 : f32 to vector<16xf32>
      %mul3A_234 = arith.mulf %mul3A_232, %mul3A_233 : vector<16xf32>
      %add3A_235 = arith.addf %add3A_231, %mul3A_234 : vector<16xf32>
      %get3A_236 = arith.constant 4 : i32
      %get3A_237 = arith.index_cast %get3A_236 : i32 to index
      %get3A_238 = arith.index_cast %shift_right_arithmetic3A_96 : i32 to index
      %get3A_239 = arith.index_cast %multiple_of3A_100 : i32 to index
      %get3A_240 = tpu.vector_load %arg10[%get3A_237, %get3A_238, %get3A_239] {strides = array<i32>} : memref<16x4x128xi32, #tpu.memory_space<vmem>>, vector<16xi32>,
      %get3A_241 = arith.constant 4 : i32
      %get3A_242 = arith.index_cast %get3A_241 : i32 to index
      %get3A_243 = arith.index_cast %shift_right_arithmetic3A_96 : i32 to index
      %get3A_244 = arith.index_cast %multiple_of3A_100 : i32 to index
      %get3A_245 = tpu.vector_load %arg11[%get3A_242, %get3A_243, %get3A_244] {strides = array<i32>} : memref<16x4x128xi32, #tpu.memory_space<vmem>>, vector<16xi32>,
      %shift_left3A_246 = arith.constant 16 : i32
      %shift_left3A_247 = vector.broadcast %shift_left3A_246 : i32 to vector<16xi32>
      %shift_left3A_248 = arith.shli %get3A_240, %shift_left3A_247 : vector<16xi32>
      %bitcast3A_249 = vector.bitcast %shift_left3A_248 : vector<16xi32> to vector<16xf32>
      %and3A_250 = arith.constant -65536 : i32
      %and3A_251 = vector.broadcast %and3A_250 : i32 to vector<16xi32>
      %and3A_252 = arith.andi %get3A_240, %and3A_251 : vector<16xi32>
      %bitcast3A_253 = vector.bitcast %and3A_252 : vector<16xi32> to vector<16xf32>
      %shift_left3A_254 = arith.constant 16 : i32
      %shift_left3A_255 = vector.broadcast %shift_left3A_254 : i32 to vector<16xi32>
      %shift_left3A_256 = arith.shli %get3A_245, %shift_left3A_255 : vector<16xi32>
      %bitcast3A_257 = vector.bitcast %shift_left3A_256 : vector<16xi32> to vector<16xf32>
      %and3A_258 = arith.constant -65536 : i32
      %and3A_259 = vector.broadcast %and3A_258 : i32 to vector<16xi32>
      %and3A_260 = arith.andi %get3A_245, %and3A_259 : vector<16xi32>
      %bitcast3A_261 = vector.bitcast %and3A_260 : vector<16xi32> to vector<16xf32>
      %mul3A_262 = arith.mulf %bitcast3A_249, %bitcast3A_257 : vector<16xf32>
      %mul3A_263 = vector.broadcast %squeeze3A_37 : f32 to vector<16xf32>
      %mul3A_264 = arith.mulf %mul3A_262, %mul3A_263 : vector<16xf32>
      %add3A_265 = arith.addf %add3A_235, %mul3A_264 : vector<16xf32>
      %mul3A_266 = arith.mulf %bitcast3A_253, %bitcast3A_261 : vector<16xf32>
      %mul3A_267 = vector.broadcast %squeeze3A_39 : f32 to vector<16xf32>
      %mul3A_268 = arith.mulf %mul3A_266, %mul3A_267 : vector<16xf32>
      %add3A_269 = arith.addf %add3A_265, %mul3A_268 : vector<16xf32>
      %get3A_270 = arith.constant 5 : i32
      %get3A_271 = arith.index_cast %get3A_270 : i32 to index
      %get3A_272 = arith.index_cast %shift_right_arithmetic3A_96 : i32 to index
      %get3A_273 = arith.index_cast %multiple_of3A_100 : i32 to index
      %get3A_274 = tpu.vector_load %arg10[%get3A_271, %get3A_272, %get3A_273] {strides = array<i32>} : memref<16x4x128xi32, #tpu.memory_space<vmem>>, vector<16xi32>,
      %get3A_275 = arith.constant 5 : i32
      %get3A_276 = arith.index_cast %get3A_275 : i32 to index
      %get3A_277 = arith.index_cast %shift_right_arithmetic3A_96 : i32 to index
      %get3A_278 = arith.index_cast %multiple_of3A_100 : i32 to index
      %get3A_279 = tpu.vector_load %arg11[%get3A_276, %get3A_277, %get3A_278] {strides = array<i32>} : memref<16x4x128xi32, #tpu.memory_space<vmem>>, vector<16xi32>,
      %shift_left3A_280 = arith.constant 16 : i32
      %shift_left3A_281 = vector.broadcast %shift_left3A_280 : i32 to vector<16xi32>
      %shift_left3A_282 = arith.shli %get3A_274, %shift_left3A_281 : vector<16xi32>
      %bitcast3A_283 = vector.bitcast %shift_left3A_282 : vector<16xi32> to vector<16xf32>
      %and3A_284 = arith.constant -65536 : i32
      %and3A_285 = vector.broadcast %and3A_284 : i32 to vector<16xi32>
      %and3A_286 = arith.andi %get3A_274, %and3A_285 : vector<16xi32>
      %bitcast3A_287 = vector.bitcast %and3A_286 : vector<16xi32> to vector<16xf32>
      %shift_left3A_288 = arith.constant 16 : i32
      %shift_left3A_289 = vector.broadcast %shift_left3A_288 : i32 to vector<16xi32>
      %shift_left3A_290 = arith.shli %get3A_279, %shift_left3A_289 : vector<16xi32>
      %bitcast3A_291 = vector.bitcast %shift_left3A_290 : vector<16xi32> to vector<16xf32>
      %and3A_292 = arith.constant -65536 : i32
      %and3A_293 = vector.broadcast %and3A_292 : i32 to vector<16xi32>
      %and3A_294 = arith.andi %get3A_279, %and3A_293 : vector<16xi32>
      %bitcast3A_295 = vector.bitcast %and3A_294 : vector<16xi32> to vector<16xf32>
      %mul3A_296 = arith.mulf %bitcast3A_283, %bitcast3A_291 : vector<16xf32>
      %mul3A_297 = vector.broadcast %squeeze3A_41 : f32 to vector<16xf32>
      %mul3A_298 = arith.mulf %mul3A_296, %mul3A_297 : vector<16xf32>
      %add3A_299 = arith.addf %add3A_269, %mul3A_298 : vector<16xf32>
      %mul3A_300 = arith.mulf %bitcast3A_287, %bitcast3A_295 : vector<16xf32>
      %mul3A_301 = vector.broadcast %squeeze3A_43 : f32 to vector<16xf32>
      %mul3A_302 = arith.mulf %mul3A_300, %mul3A_301 : vector<16xf32>
      %add3A_303 = arith.addf %add3A_299, %mul3A_302 : vector<16xf32>
      %get3A_304 = arith.constant 6 : i32
      %get3A_305 = arith.index_cast %get3A_304 : i32 to index
      %get3A_306 = arith.index_cast %shift_right_arithmetic3A_96 : i32 to index
      %get3A_307 = arith.index_cast %multiple_of3A_100 : i32 to index
      %get3A_308 = tpu.vector_load %arg10[%get3A_305, %get3A_306, %get3A_307] {strides = array<i32>} : memref<16x4x128xi32, #tpu.memory_space<vmem>>, vector<16xi32>,
      %get3A_309 = arith.constant 6 : i32
      %get3A_310 = arith.index_cast %get3A_309 : i32 to index
      %get3A_311 = arith.index_cast %shift_right_arithmetic3A_96 : i32 to index
      %get3A_312 = arith.index_cast %multiple_of3A_100 : i32 to index
      %get3A_313 = tpu.vector_load %arg11[%get3A_310, %get3A_311, %get3A_312] {strides = array<i32>} : memref<16x4x128xi32, #tpu.memory_space<vmem>>, vector<16xi32>,
      %shift_left3A_314 = arith.constant 16 : i32
      %shift_left3A_315 = vector.broadcast %shift_left3A_314 : i32 to vector<16xi32>
      %shift_left3A_316 = arith.shli %get3A_308, %shift_left3A_315 : vector<16xi32>
      %bitcast3A_317 = vector.bitcast %shift_left3A_316 : vector<16xi32> to vector<16xf32>
      %and3A_318 = arith.constant -65536 : i32
      %and3A_319 = vector.broadcast %and3A_318 : i32 to vector<16xi32>
      %and3A_320 = arith.andi %get3A_308, %and3A_319 : vector<16xi32>
      %bitcast3A_321 = vector.bitcast %and3A_320 : vector<16xi32> to vector<16xf32>
      %shift_left3A_322 = arith.constant 16 : i32
      %shift_left3A_323 = vector.broadcast %shift_left3A_322 : i32 to vector<16xi32>
      %shift_left3A_324 = arith.shli %get3A_313, %shift_left3A_323 : vector<16xi32>
      %bitcast3A_325 = vector.bitcast %shift_left3A_324 : vector<16xi32> to vector<16xf32>
      %and3A_326 = arith.constant -65536 : i32
      %and3A_327 = vector.broadcast %and3A_326 : i32 to vector<16xi32>
      %and3A_328 = arith.andi %get3A_313, %and3A_327 : vector<16xi32>
      %bitcast3A_329 = vector.bitcast %and3A_328 : vector<16xi32> to vector<16xf32>
      %mul3A_330 = arith.mulf %bitcast3A_317, %bitcast3A_325 : vector<16xf32>
      %mul3A_331 = vector.broadcast %squeeze3A_45 : f32 to vector<16xf32>
      %mul3A_332 = arith.mulf %mul3A_330, %mul3A_331 : vector<16xf32>
      %add3A_333 = arith.addf %add3A_303, %mul3A_332 : vector<16xf32>
      %mul3A_334 = arith.mulf %bitcast3A_321, %bitcast3A_329 : vector<16xf32>
      %mul3A_335 = vector.broadcast %squeeze3A_47 : f32 to vector<16xf32>
      %mul3A_336 = arith.mulf %mul3A_334, %mul3A_335 : vector<16xf32>
      %add3A_337 = arith.addf %add3A_333, %mul3A_336 : vector<16xf32>
      %get3A_338 = arith.constant 7 : i32
      %get3A_339 = arith.index_cast %get3A_338 : i32 to index
      %get3A_340 = arith.index_cast %shift_right_arithmetic3A_96 : i32 to index
      %get3A_341 = arith.index_cast %multiple_of3A_100 : i32 to index
      %get3A_342 = tpu.vector_load %arg10[%get3A_339, %get3A_340, %get3A_341] {strides = array<i32>} : memref<16x4x128xi32, #tpu.memory_space<vmem>>, vector<16xi32>,
      %get3A_343 = arith.constant 7 : i32
      %get3A_344 = arith.index_cast %get3A_343 : i32 to index
      %get3A_345 = arith.index_cast %shift_right_arithmetic3A_96 : i32 to index
      %get3A_346 = arith.index_cast %multiple_of3A_100 : i32 to index
      %get3A_347 = tpu.vector_load %arg11[%get3A_344, %get3A_345, %get3A_346] {strides = array<i32>} : memref<16x4x128xi32, #tpu.memory_space<vmem>>, vector<16xi32>,
      %shift_left3A_348 = arith.constant 16 : i32
      %shift_left3A_349 = vector.broadcast %shift_left3A_348 : i32 to vector<16xi32>
      %shift_left3A_350 = arith.shli %get3A_342, %shift_left3A_349 : vector<16xi32>
      %bitcast3A_351 = vector.bitcast %shift_left3A_350 : vector<16xi32> to vector<16xf32>
      %and3A_352 = arith.constant -65536 : i32
      %and3A_353 = vector.broadcast %and3A_352 : i32 to vector<16xi32>
      %and3A_354 = arith.andi %get3A_342, %and3A_353 : vector<16xi32>
      %bitcast3A_355 = vector.bitcast %and3A_354 : vector<16xi32> to vector<16xf32>
      %shift_left3A_356 = arith.constant 16 : i32
      %shift_left3A_357 = vector.broadcast %shift_left3A_356 : i32 to vector<16xi32>
      %shift_left3A_358 = arith.shli %get3A_347, %shift_left3A_357 : vector<16xi32>
      %bitcast3A_359 = vector.bitcast %shift_left3A_358 : vector<16xi32> to vector<16xf32>
      %and3A_360 = arith.constant -65536 : i32
      %and3A_361 = vector.broadcast %and3A_360 : i32 to vector<16xi32>
      %and3A_362 = arith.andi %get3A_347, %and3A_361 : vector<16xi32>
      %bitcast3A_363 = vector.bitcast %and3A_362 : vector<16xi32> to vector<16xf32>
      %mul3A_364 = arith.mulf %bitcast3A_351, %bitcast3A_359 : vector<16xf32>
      %mul3A_365 = vector.broadcast %squeeze3A_49 : f32 to vector<16xf32>
      %mul3A_366 = arith.mulf %mul3A_364, %mul3A_365 : vector<16xf32>
      %add3A_367 = arith.addf %add3A_337, %mul3A_366 : vector<16xf32>
      %mul3A_368 = arith.mulf %bitcast3A_355, %bitcast3A_363 : vector<16xf32>
      %mul3A_369 = vector.broadcast %squeeze3A_51 : f32 to vector<16xf32>
      %mul3A_370 = arith.mulf %mul3A_368, %mul3A_369 : vector<16xf32>
      %add3A_371 = arith.addf %add3A_367, %mul3A_370 : vector<16xf32>
      %get3A_372 = arith.constant 8 : i32
      %get3A_373 = arith.index_cast %get3A_372 : i32 to index
      %get3A_374 = arith.index_cast %shift_right_arithmetic3A_96 : i32 to index
      %get3A_375 = arith.index_cast %multiple_of3A_100 : i32 to index
      %get3A_376 = tpu.vector_load %arg10[%get3A_373, %get3A_374, %get3A_375] {strides = array<i32>} : memref<16x4x128xi32, #tpu.memory_space<vmem>>, vector<16xi32>,
      %get3A_377 = arith.constant 8 : i32
      %get3A_378 = arith.index_cast %get3A_377 : i32 to index
      %get3A_379 = arith.index_cast %shift_right_arithmetic3A_96 : i32 to index
      %get3A_380 = arith.index_cast %multiple_of3A_100 : i32 to index
      %get3A_381 = tpu.vector_load %arg11[%get3A_378, %get3A_379, %get3A_380] {strides = array<i32>} : memref<16x4x128xi32, #tpu.memory_space<vmem>>, vector<16xi32>,
      %shift_left3A_382 = arith.constant 16 : i32
      %shift_left3A_383 = vector.broadcast %shift_left3A_382 : i32 to vector<16xi32>
      %shift_left3A_384 = arith.shli %get3A_376, %shift_left3A_383 : vector<16xi32>
      %bitcast3A_385 = vector.bitcast %shift_left3A_384 : vector<16xi32> to vector<16xf32>
      %and3A_386 = arith.constant -65536 : i32
      %and3A_387 = vector.broadcast %and3A_386 : i32 to vector<16xi32>
      %and3A_388 = arith.andi %get3A_376, %and3A_387 : vector<16xi32>
      %bitcast3A_389 = vector.bitcast %and3A_388 : vector<16xi32> to vector<16xf32>
      %shift_left3A_390 = arith.constant 16 : i32
      %shift_left3A_391 = vector.broadcast %shift_left3A_390 : i32 to vector<16xi32>
      %shift_left3A_392 = arith.shli %get3A_381, %shift_left3A_391 : vector<16xi32>
      %bitcast3A_393 = vector.bitcast %shift_left3A_392 : vector<16xi32> to vector<16xf32>
      %and3A_394 = arith.constant -65536 : i32
      %and3A_395 = vector.broadcast %and3A_394 : i32 to vector<16xi32>
      %and3A_396 = arith.andi %get3A_381, %and3A_395 : vector<16xi32>
      %bitcast3A_397 = vector.bitcast %and3A_396 : vector<16xi32> to vector<16xf32>
      %mul3A_398 = arith.mulf %bitcast3A_385, %bitcast3A_393 : vector<16xf32>
      %mul3A_399 = vector.broadcast %squeeze3A_53 : f32 to vector<16xf32>
      %mul3A_400 = arith.mulf %mul3A_398, %mul3A_399 : vector<16xf32>
      %add3A_401 = arith.addf %add3A_371, %mul3A_400 : vector<16xf32>
      %mul3A_402 = arith.mulf %bitcast3A_389, %bitcast3A_397 : vector<16xf32>
      %mul3A_403 = vector.broadcast %squeeze3A_55 : f32 to vector<16xf32>
      %mul3A_404 = arith.mulf %mul3A_402, %mul3A_403 : vector<16xf32>
      %add3A_405 = arith.addf %add3A_401, %mul3A_404 : vector<16xf32>
      %get3A_406 = arith.constant 9 : i32
      %get3A_407 = arith.index_cast %get3A_406 : i32 to index
      %get3A_408 = arith.index_cast %shift_right_arithmetic3A_96 : i32 to index
      %get3A_409 = arith.index_cast %multiple_of3A_100 : i32 to index
      %get3A_410 = tpu.vector_load %arg10[%get3A_407, %get3A_408, %get3A_409] {strides = array<i32>} : memref<16x4x128xi32, #tpu.memory_space<vmem>>, vector<16xi32>,
      %get3A_411 = arith.constant 9 : i32
      %get3A_412 = arith.index_cast %get3A_411 : i32 to index
      %get3A_413 = arith.index_cast %shift_right_arithmetic3A_96 : i32 to index
      %get3A_414 = arith.index_cast %multiple_of3A_100 : i32 to index
      %get3A_415 = tpu.vector_load %arg11[%get3A_412, %get3A_413, %get3A_414] {strides = array<i32>} : memref<16x4x128xi32, #tpu.memory_space<vmem>>, vector<16xi32>,
      %shift_left3A_416 = arith.constant 16 : i32
      %shift_left3A_417 = vector.broadcast %shift_left3A_416 : i32 to vector<16xi32>
      %shift_left3A_418 = arith.shli %get3A_410, %shift_left3A_417 : vector<16xi32>
      %bitcast3A_419 = vector.bitcast %shift_left3A_418 : vector<16xi32> to vector<16xf32>
      %and3A_420 = arith.constant -65536 : i32
      %and3A_421 = vector.broadcast %and3A_420 : i32 to vector<16xi32>
      %and3A_422 = arith.andi %get3A_410, %and3A_421 : vector<16xi32>
      %bitcast3A_423 = vector.bitcast %and3A_422 : vector<16xi32> to vector<16xf32>
      %shift_left3A_424 = arith.constant 16 : i32
      %shift_left3A_425 = vector.broadcast %shift_left3A_424 : i32 to vector<16xi32>
      %shift_left3A_426 = arith.shli %get3A_415, %shift_left3A_425 : vector<16xi32>
      %bitcast3A_427 = vector.bitcast %shift_left3A_426 : vector<16xi32> to vector<16xf32>
      %and3A_428 = arith.constant -65536 : i32
      %and3A_429 = vector.broadcast %and3A_428 : i32 to vector<16xi32>
      %and3A_430 = arith.andi %get3A_415, %and3A_429 : vector<16xi32>
      %bitcast3A_431 = vector.bitcast %and3A_430 : vector<16xi32> to vector<16xf32>
      %mul3A_432 = arith.mulf %bitcast3A_419, %bitcast3A_427 : vector<16xf32>
      %mul3A_433 = vector.broadcast %squeeze3A_57 : f32 to vector<16xf32>
      %mul3A_434 = arith.mulf %mul3A_432, %mul3A_433 : vector<16xf32>
      %add3A_435 = arith.addf %add3A_405, %mul3A_434 : vector<16xf32>
      %mul3A_436 = arith.mulf %bitcast3A_423, %bitcast3A_431 : vector<16xf32>
      %mul3A_437 = vector.broadcast %squeeze3A_59 : f32 to vector<16xf32>
      %mul3A_438 = arith.mulf %mul3A_436, %mul3A_437 : vector<16xf32>
      %add3A_439 = arith.addf %add3A_435, %mul3A_438 : vector<16xf32>
      %get3A_440 = arith.constant 10 : i32
      %get3A_441 = arith.index_cast %get3A_440 : i32 to index
      %get3A_442 = arith.index_cast %shift_right_arithmetic3A_96 : i32 to index
      %get3A_443 = arith.index_cast %multiple_of3A_100 : i32 to index
      %get3A_444 = tpu.vector_load %arg10[%get3A_441, %get3A_442, %get3A_443] {strides = array<i32>} : memref<16x4x128xi32, #tpu.memory_space<vmem>>, vector<16xi32>,
      %get3A_445 = arith.constant 10 : i32
      %get3A_446 = arith.index_cast %get3A_445 : i32 to index
      %get3A_447 = arith.index_cast %shift_right_arithmetic3A_96 : i32 to index
      %get3A_448 = arith.index_cast %multiple_of3A_100 : i32 to index
      %get3A_449 = tpu.vector_load %arg11[%get3A_446, %get3A_447, %get3A_448] {strides = array<i32>} : memref<16x4x128xi32, #tpu.memory_space<vmem>>, vector<16xi32>,
      %shift_left3A_450 = arith.constant 16 : i32
      %shift_left3A_451 = vector.broadcast %shift_left3A_450 : i32 to vector<16xi32>
      %shift_left3A_452 = arith.shli %get3A_444, %shift_left3A_451 : vector<16xi32>
      %bitcast3A_453 = vector.bitcast %shift_left3A_452 : vector<16xi32> to vector<16xf32>
      %and3A_454 = arith.constant -65536 : i32
      %and3A_455 = vector.broadcast %and3A_454 : i32 to vector<16xi32>
      %and3A_456 = arith.andi %get3A_444, %and3A_455 : vector<16xi32>
      %bitcast3A_457 = vector.bitcast %and3A_456 : vector<16xi32> to vector<16xf32>
      %shift_left3A_458 = arith.constant 16 : i32
      %shift_left3A_459 = vector.broadcast %shift_left3A_458 : i32 to vector<16xi32>
      %shift_left3A_460 = arith.shli %get3A_449, %shift_left3A_459 : vector<16xi32>
      %bitcast3A_461 = vector.bitcast %shift_left3A_460 : vector<16xi32> to vector<16xf32>
      %and3A_462 = arith.constant -65536 : i32
      %and3A_463 = vector.broadcast %and3A_462 : i32 to vector<16xi32>
      %and3A_464 = arith.andi %get3A_449, %and3A_463 : vector<16xi32>
      %bitcast3A_465 = vector.bitcast %and3A_464 : vector<16xi32> to vector<16xf32>
      %mul3A_466 = arith.mulf %bitcast3A_453, %bitcast3A_461 : vector<16xf32>
      %mul3A_467 = vector.broadcast %squeeze3A_61 : f32 to vector<16xf32>
      %mul3A_468 = arith.mulf %mul3A_466, %mul3A_467 : vector<16xf32>
      %add3A_469 = arith.addf %add3A_439, %mul3A_468 : vector<16xf32>
      %mul3A_470 = arith.mulf %bitcast3A_457, %bitcast3A_465 : vector<16xf32>
      %mul3A_471 = vector.broadcast %squeeze3A_63 : f32 to vector<16xf32>
      %mul3A_472 = arith.mulf %mul3A_470, %mul3A_471 : vector<16xf32>
      %add3A_473 = arith.addf %add3A_469, %mul3A_472 : vector<16xf32>
      %get3A_474 = arith.constant 11 : i32
      %get3A_475 = arith.index_cast %get3A_474 : i32 to index
      %get3A_476 = arith.index_cast %shift_right_arithmetic3A_96 : i32 to index
      %get3A_477 = arith.index_cast %multiple_of3A_100 : i32 to index
      %get3A_478 = tpu.vector_load %arg10[%get3A_475, %get3A_476, %get3A_477] {strides = array<i32>} : memref<16x4x128xi32, #tpu.memory_space<vmem>>, vector<16xi32>,
      %get3A_479 = arith.constant 11 : i32
      %get3A_480 = arith.index_cast %get3A_479 : i32 to index
      %get3A_481 = arith.index_cast %shift_right_arithmetic3A_96 : i32 to index
      %get3A_482 = arith.index_cast %multiple_of3A_100 : i32 to index
      %get3A_483 = tpu.vector_load %arg11[%get3A_480, %get3A_481, %get3A_482] {strides = array<i32>} : memref<16x4x128xi32, #tpu.memory_space<vmem>>, vector<16xi32>,
      %shift_left3A_484 = arith.constant 16 : i32
      %shift_left3A_485 = vector.broadcast %shift_left3A_484 : i32 to vector<16xi32>
      %shift_left3A_486 = arith.shli %get3A_478, %shift_left3A_485 : vector<16xi32>
      %bitcast3A_487 = vector.bitcast %shift_left3A_486 : vector<16xi32> to vector<16xf32>
      %and3A_488 = arith.constant -65536 : i32
      %and3A_489 = vector.broadcast %and3A_488 : i32 to vector<16xi32>
      %and3A_490 = arith.andi %get3A_478, %and3A_489 : vector<16xi32>
      %bitcast3A_491 = vector.bitcast %and3A_490 : vector<16xi32> to vector<16xf32>
      %shift_left3A_492 = arith.constant 16 : i32
      %shift_left3A_493 = vector.broadcast %shift_left3A_492 : i32 to vector<16xi32>
      %shift_left3A_494 = arith.shli %get3A_483, %shift_left3A_493 : vector<16xi32>
      %bitcast3A_495 = vector.bitcast %shift_left3A_494 : vector<16xi32> to vector<16xf32>
      %and3A_496 = arith.constant -65536 : i32
      %and3A_497 = vector.broadcast %and3A_496 : i32 to vector<16xi32>
      %and3A_498 = arith.andi %get3A_483, %and3A_497 : vector<16xi32>
      %bitcast3A_499 = vector.bitcast %and3A_498 : vector<16xi32> to vector<16xf32>
      %mul3A_500 = arith.mulf %bitcast3A_487, %bitcast3A_495 : vector<16xf32>
      %mul3A_501 = vector.broadcast %squeeze3A_65 : f32 to vector<16xf32>
      %mul3A_502 = arith.mulf %mul3A_500, %mul3A_501 : vector<16xf32>
      %add3A_503 = arith.addf %add3A_473, %mul3A_502 : vector<16xf32>
      %mul3A_504 = arith.mulf %bitcast3A_491, %bitcast3A_499 : vector<16xf32>
      %mul3A_505 = vector.broadcast %squeeze3A_67 : f32 to vector<16xf32>
      %mul3A_506 = arith.mulf %mul3A_504, %mul3A_505 : vector<16xf32>
      %add3A_507 = arith.addf %add3A_503, %mul3A_506 : vector<16xf32>
      %get3A_508 = arith.constant 12 : i32
      %get3A_509 = arith.index_cast %get3A_508 : i32 to index
      %get3A_510 = arith.index_cast %shift_right_arithmetic3A_96 : i32 to index
      %get3A_511 = arith.index_cast %multiple_of3A_100 : i32 to index
      %get3A_512 = tpu.vector_load %arg10[%get3A_509, %get3A_510, %get3A_511] {strides = array<i32>} : memref<16x4x128xi32, #tpu.memory_space<vmem>>, vector<16xi32>,
      %get3A_513 = arith.constant 12 : i32
      %get3A_514 = arith.index_cast %get3A_513 : i32 to index
      %get3A_515 = arith.index_cast %shift_right_arithmetic3A_96 : i32 to index
      %get3A_516 = arith.index_cast %multiple_of3A_100 : i32 to index
      %get3A_517 = tpu.vector_load %arg11[%get3A_514, %get3A_515, %get3A_516] {strides = array<i32>} : memref<16x4x128xi32, #tpu.memory_space<vmem>>, vector<16xi32>,
      %shift_left3A_518 = arith.constant 16 : i32
      %shift_left3A_519 = vector.broadcast %shift_left3A_518 : i32 to vector<16xi32>
      %shift_left3A_520 = arith.shli %get3A_512, %shift_left3A_519 : vector<16xi32>
      %bitcast3A_521 = vector.bitcast %shift_left3A_520 : vector<16xi32> to vector<16xf32>
      %and3A_522 = arith.constant -65536 : i32
      %and3A_523 = vector.broadcast %and3A_522 : i32 to vector<16xi32>
      %and3A_524 = arith.andi %get3A_512, %and3A_523 : vector<16xi32>
      %bitcast3A_525 = vector.bitcast %and3A_524 : vector<16xi32> to vector<16xf32>
      %shift_left3A_526 = arith.constant 16 : i32
      %shift_left3A_527 = vector.broadcast %shift_left3A_526 : i32 to vector<16xi32>
      %shift_left3A_528 = arith.shli %get3A_517, %shift_left3A_527 : vector<16xi32>
      %bitcast3A_529 = vector.bitcast %shift_left3A_528 : vector<16xi32> to vector<16xf32>
      %and3A_530 = arith.constant -65536 : i32
      %and3A_531 = vector.broadcast %and3A_530 : i32 to vector<16xi32>
      %and3A_532 = arith.andi %get3A_517, %and3A_531 : vector<16xi32>
      %bitcast3A_533 = vector.bitcast %and3A_532 : vector<16xi32> to vector<16xf32>
      %mul3A_534 = arith.mulf %bitcast3A_521, %bitcast3A_529 : vector<16xf32>
      %mul3A_535 = vector.broadcast %squeeze3A_69 : f32 to vector<16xf32>
      %mul3A_536 = arith.mulf %mul3A_534, %mul3A_535 : vector<16xf32>
      %add3A_537 = arith.addf %add3A_507, %mul3A_536 : vector<16xf32>
      %mul3A_538 = arith.mulf %bitcast3A_525, %bitcast3A_533 : vector<16xf32>
      %mul3A_539 = vector.broadcast %squeeze3A_71 : f32 to vector<16xf32>
      %mul3A_540 = arith.mulf %mul3A_538, %mul3A_539 : vector<16xf32>
      %add3A_541 = arith.addf %add3A_537, %mul3A_540 : vector<16xf32>
      %get3A_542 = arith.constant 13 : i32
      %get3A_543 = arith.index_cast %get3A_542 : i32 to index
      %get3A_544 = arith.index_cast %shift_right_arithmetic3A_96 : i32 to index
      %get3A_545 = arith.index_cast %multiple_of3A_100 : i32 to index
      %get3A_546 = tpu.vector_load %arg10[%get3A_543, %get3A_544, %get3A_545] {strides = array<i32>} : memref<16x4x128xi32, #tpu.memory_space<vmem>>, vector<16xi32>,
      %get3A_547 = arith.constant 13 : i32
      %get3A_548 = arith.index_cast %get3A_547 : i32 to index
      %get3A_549 = arith.index_cast %shift_right_arithmetic3A_96 : i32 to index
      %get3A_550 = arith.index_cast %multiple_of3A_100 : i32 to index
      %get3A_551 = tpu.vector_load %arg11[%get3A_548, %get3A_549, %get3A_550] {strides = array<i32>} : memref<16x4x128xi32, #tpu.memory_space<vmem>>, vector<16xi32>,
      %shift_left3A_552 = arith.constant 16 : i32
      %shift_left3A_553 = vector.broadcast %shift_left3A_552 : i32 to vector<16xi32>
      %shift_left3A_554 = arith.shli %get3A_546, %shift_left3A_553 : vector<16xi32>
      %bitcast3A_555 = vector.bitcast %shift_left3A_554 : vector<16xi32> to vector<16xf32>
      %and3A_556 = arith.constant -65536 : i32
      %and3A_557 = vector.broadcast %and3A_556 : i32 to vector<16xi32>
      %and3A_558 = arith.andi %get3A_546, %and3A_557 : vector<16xi32>
      %bitcast3A_559 = vector.bitcast %and3A_558 : vector<16xi32> to vector<16xf32>
      %shift_left3A_560 = arith.constant 16 : i32
      %shift_left3A_561 = vector.broadcast %shift_left3A_560 : i32 to vector<16xi32>
      %shift_left3A_562 = arith.shli %get3A_551, %shift_left3A_561 : vector<16xi32>
      %bitcast3A_563 = vector.bitcast %shift_left3A_562 : vector<16xi32> to vector<16xf32>
      %and3A_564 = arith.constant -65536 : i32
      %and3A_565 = vector.broadcast %and3A_564 : i32 to vector<16xi32>
      %and3A_566 = arith.andi %get3A_551, %and3A_565 : vector<16xi32>
      %bitcast3A_567 = vector.bitcast %and3A_566 : vector<16xi32> to vector<16xf32>
      %mul3A_568 = arith.mulf %bitcast3A_555, %bitcast3A_563 : vector<16xf32>
      %mul3A_569 = vector.broadcast %squeeze3A_73 : f32 to vector<16xf32>
      %mul3A_570 = arith.mulf %mul3A_568, %mul3A_569 : vector<16xf32>
      %add3A_571 = arith.addf %add3A_541, %mul3A_570 : vector<16xf32>
      %mul3A_572 = arith.mulf %bitcast3A_559, %bitcast3A_567 : vector<16xf32>
      %mul3A_573 = vector.broadcast %squeeze3A_75 : f32 to vector<16xf32>
      %mul3A_574 = arith.mulf %mul3A_572, %mul3A_573 : vector<16xf32>
      %add3A_575 = arith.addf %add3A_571, %mul3A_574 : vector<16xf32>
      %get3A_576 = arith.constant 14 : i32
      %get3A_577 = arith.index_cast %get3A_576 : i32 to index
      %get3A_578 = arith.index_cast %shift_right_arithmetic3A_96 : i32 to index
      %get3A_579 = arith.index_cast %multiple_of3A_100 : i32 to index
      %get3A_580 = tpu.vector_load %arg10[%get3A_577, %get3A_578, %get3A_579] {strides = array<i32>} : memref<16x4x128xi32, #tpu.memory_space<vmem>>, vector<16xi32>,
      %get3A_581 = arith.constant 14 : i32
      %get3A_582 = arith.index_cast %get3A_581 : i32 to index
      %get3A_583 = arith.index_cast %shift_right_arithmetic3A_96 : i32 to index
      %get3A_584 = arith.index_cast %multiple_of3A_100 : i32 to index
      %get3A_585 = tpu.vector_load %arg11[%get3A_582, %get3A_583, %get3A_584] {strides = array<i32>} : memref<16x4x128xi32, #tpu.memory_space<vmem>>, vector<16xi32>,
      %shift_left3A_586 = arith.constant 16 : i32
      %shift_left3A_587 = vector.broadcast %shift_left3A_586 : i32 to vector<16xi32>
      %shift_left3A_588 = arith.shli %get3A_580, %shift_left3A_587 : vector<16xi32>
      %bitcast3A_589 = vector.bitcast %shift_left3A_588 : vector<16xi32> to vector<16xf32>
      %and3A_590 = arith.constant -65536 : i32
      %and3A_591 = vector.broadcast %and3A_590 : i32 to vector<16xi32>
      %and3A_592 = arith.andi %get3A_580, %and3A_591 : vector<16xi32>
      %bitcast3A_593 = vector.bitcast %and3A_592 : vector<16xi32> to vector<16xf32>
      %shift_left3A_594 = arith.constant 16 : i32
      %shift_left3A_595 = vector.broadcast %shift_left3A_594 : i32 to vector<16xi32>
      %shift_left3A_596 = arith.shli %get3A_585, %shift_left3A_595 : vector<16xi32>
      %bitcast3A_597 = vector.bitcast %shift_left3A_596 : vector<16xi32> to vector<16xf32>
      %and3A_598 = arith.constant -65536 : i32
      %and3A_599 = vector.broadcast %and3A_598 : i32 to vector<16xi32>
      %and3A_600 = arith.andi %get3A_585, %and3A_599 : vector<16xi32>
      %bitcast3A_601 = vector.bitcast %and3A_600 : vector<16xi32> to vector<16xf32>
      %mul3A_602 = arith.mulf %bitcast3A_589, %bitcast3A_597 : vector<16xf32>
      %mul3A_603 = vector.broadcast %squeeze3A_77 : f32 to vector<16xf32>
      %mul3A_604 = arith.mulf %mul3A_602, %mul3A_603 : vector<16xf32>
      %add3A_605 = arith.addf %add3A_575, %mul3A_604 : vector<16xf32>
      %mul3A_606 = arith.mulf %bitcast3A_593, %bitcast3A_601 : vector<16xf32>
      %mul3A_607 = vector.broadcast %squeeze3A_79 : f32 to vector<16xf32>
      %mul3A_608 = arith.mulf %mul3A_606, %mul3A_607 : vector<16xf32>
      %add3A_609 = arith.addf %add3A_605, %mul3A_608 : vector<16xf32>
      %get3A_610 = arith.constant 15 : i32
      %get3A_611 = arith.index_cast %get3A_610 : i32 to index
      %get3A_612 = arith.index_cast %shift_right_arithmetic3A_96 : i32 to index
      %get3A_613 = arith.index_cast %multiple_of3A_100 : i32 to index
      %get3A_614 = tpu.vector_load %arg10[%get3A_611, %get3A_612, %get3A_613] {strides = array<i32>} : memref<16x4x128xi32, #tpu.memory_space<vmem>>, vector<16xi32>,
      %get3A_615 = arith.constant 15 : i32
      %get3A_616 = arith.index_cast %get3A_615 : i32 to index
      %get3A_617 = arith.index_cast %shift_right_arithmetic3A_96 : i32 to index
      %get3A_618 = arith.index_cast %multiple_of3A_100 : i32 to index
      %get3A_619 = tpu.vector_load %arg11[%get3A_616, %get3A_617, %get3A_618] {strides = array<i32>} : memref<16x4x128xi32, #tpu.memory_space<vmem>>, vector<16xi32>,
      %shift_left3A_620 = arith.constant 16 : i32
      %shift_left3A_621 = vector.broadcast %shift_left3A_620 : i32 to vector<16xi32>
      %shift_left3A_622 = arith.shli %get3A_614, %shift_left3A_621 : vector<16xi32>
      %bitcast3A_623 = vector.bitcast %shift_left3A_622 : vector<16xi32> to vector<16xf32>
      %and3A_624 = arith.constant -65536 : i32
      %and3A_625 = vector.broadcast %and3A_624 : i32 to vector<16xi32>
      %and3A_626 = arith.andi %get3A_614, %and3A_625 : vector<16xi32>
      %bitcast3A_627 = vector.bitcast %and3A_626 : vector<16xi32> to vector<16xf32>
      %shift_left3A_628 = arith.constant 16 : i32
      %shift_left3A_629 = vector.broadcast %shift_left3A_628 : i32 to vector<16xi32>
      %shift_left3A_630 = arith.shli %get3A_619, %shift_left3A_629 : vector<16xi32>
      %bitcast3A_631 = vector.bitcast %shift_left3A_630 : vector<16xi32> to vector<16xf32>
      %and3A_632 = arith.constant -65536 : i32
      %and3A_633 = vector.broadcast %and3A_632 : i32 to vector<16xi32>
      %and3A_634 = arith.andi %get3A_619, %and3A_633 : vector<16xi32>
      %bitcast3A_635 = vector.bitcast %and3A_634 : vector<16xi32> to vector<16xf32>
      %mul3A_636 = arith.mulf %bitcast3A_623, %bitcast3A_631 : vector<16xf32>
      %mul3A_637 = vector.broadcast %squeeze3A_81 : f32 to vector<16xf32>
      %mul3A_638 = arith.mulf %mul3A_636, %mul3A_637 : vector<16xf32>
      %add3A_639 = arith.addf %add3A_609, %mul3A_638 : vector<16xf32>
      %mul3A_640 = arith.mulf %bitcast3A_627, %bitcast3A_635 : vector<16xf32>
      %mul3A_641 = vector.broadcast %squeeze3A_83 : f32 to vector<16xf32>
      %mul3A_642 = arith.mulf %mul3A_640, %mul3A_641 : vector<16xf32>
      %add3A_643 = arith.addf %add3A_639, %mul3A_642 : vector<16xf32>
      %add3A_644 = vector.broadcast %squeeze3A_88 : f32 to vector<16xf32>
      %add3A_645 = arith.addf %add3A_643, %add3A_644 : vector<16xf32>
      %neg3A = arith.constant 0.000000e+00 : f32
      %neg3A_646 = vector.broadcast %neg3A : f32 to vector<16xf32>
      %neg3A_647 = arith.subf %neg3A_646, %add3A_645 : vector<16xf32>
      %exp3A = math.exp %neg3A_647 : vector<16xf32>
      %add3A_648 = arith.constant 1.000000e+00 : f32
      %add3A_649 = vector.broadcast %add3A_648 : f32 to vector<16xf32>
      %add3A_650 = arith.addf %add3A_649, %exp3A : vector<16xf32>
      %div3A = arith.constant 1.000000e+00 : f32
      %div3A_651 = vector.broadcast %div3A : f32 to vector<16xf32>
      %div3A_652 = arith.divf %div3A_651, %add3A_650 : vector<16xf32>
      %mul3A_653 = arith.constant 16 : i32
      %mul3A_654 = arith.muli %scan3A_95, %mul3A_653 : i32
      %multiple_of3A_655 = tpu.assume_multiple %mul3A_654, 16 : i32
      %swap3A = arith.index_cast %multiple_of3A_655 : i32 to index
      %swap3A_656 = tpu.vector_load %arg13[%swap3A] {strides = array<i32>} : memref<512xf32, #tpu.memory_space<vmem>>, vector<16xf32>,
      tpu.vector_store %arg13[%swap3A], %div3A_652 {strides = array<i32>} : memref<512xf32, #tpu.memory_space<vmem>>, vector<16xf32>,
    }
    %scan3A_94 = arith.constant 32 : i32
    "tpu.region"() ({
      %run_scoped3A = tpu.sem_alloc : memref<!tpu.dma_semaphore, #tpu.memory_space<semaphore_mem>>
      %dma_start3A = arith.constant 0 : i32
      %dma_start3A_95 = tpu.memref_slice %arg6[%add3A, %dma_start3A] : memref<32x512xf32, #tpu.memory_space<hbm>> -> memref<1x512xf32, #tpu.memory_space<hbm>>
      %dma_start3A_96 = tpu.memref_squeeze %dma_start3A_95 : memref<1x512xf32, #tpu.memory_space<hbm>> -> memref<512xf32, #tpu.memory_space<hbm>>
      %dma_start3A_97 = arith.constant 0 : i32
      %dma_start3A_98 = tpu.memref_slice %arg6[%add3A, %dma_start3A_97] : memref<32x512xf32, #tpu.memory_space<hbm>> -> memref<1x512xf32, #tpu.memory_space<hbm>>
      %dma_start3A_99 = tpu.memref_squeeze %dma_start3A_98 : memref<1x512xf32, #tpu.memory_space<hbm>> -> memref<512xf32, #tpu.memory_space<hbm>>
      tpu.enqueue_dma source(%arg13 : memref<512xf32, #tpu.memory_space<vmem>>) target(%dma_start3A_99 : memref<512xf32, #tpu.memory_space<hbm>>) target_semaphore(%run_scoped3A : memref<!tpu.dma_semaphore, #tpu.memory_space<semaphore_mem>>)
      %dma_wait3A_100 = arith.constant 0 : i32
      %dma_wait3A_101 = tpu.memref_slice %arg6[%add3A, %dma_wait3A_100] : memref<32x512xf32, #tpu.memory_space<hbm>> -> memref<1x512xf32, #tpu.memory_space<hbm>>
      %dma_wait3A_102 = tpu.memref_squeeze %dma_wait3A_101 : memref<1x512xf32, #tpu.memory_space<hbm>> -> memref<512xf32, #tpu.memory_space<hbm>>
      %dma_wait3A_103 = arith.constant 0 : i32
      %dma_wait3A_104 = tpu.memref_slice %arg6[%add3A, %dma_wait3A_103] : memref<32x512xf32, #tpu.memory_space<hbm>> -> memref<1x512xf32, #tpu.memory_space<hbm>>
      %dma_wait3A_105 = tpu.memref_squeeze %dma_wait3A_104 : memref<1x512xf32, #tpu.memory_space<hbm>> -> memref<512xf32, #tpu.memory_space<hbm>>
      tpu.wait_dma2 semaphore(%run_scoped3A : memref<!tpu.dma_semaphore, #tpu.memory_space<semaphore_mem>>) src(%arg13 : memref<512xf32, #tpu.memory_space<vmem>>) dst(%dma_wait3A_105 : memref<512xf32, #tpu.memory_space<hbm>>)
      tpu.yield
    }) : () -> ()
    return
  }
}

module attributes {stable_mosaic.version = 14 : i64} {
  func.func @_pack_body(%arg0: i32, %arg1: memref<32x76928xf32, #tpu.memory_space<vmem>>, %arg2: memref<16x76928xi32, #tpu.memory_space<vmem>>) attributes {dimension_semantics = [#tpu.dimension_semantics<arbitrary>], iteration_bounds = array<i64: 13>, scalar_prefetch = 0 : i64, scratch_operands = 0 : i64, tpu.core_type = #tpu.core_type<tc>, window_params = [{transform_indices = @transform_0, window_bounds = array<i64: 32, 76928>}, {transform_indices = @transform_1, window_bounds = array<i64: 16, 76928>}]} {
    %get3A = arith.constant 0 : index
    %get3A_0 = arith.constant 0 : index
    %get3A_1 = vector.load %arg1[%get3A, %get3A_0] : memref<32x76928xf32, #tpu.memory_space<vmem>>, vector<32x76928xf32>
    %bitcast_convert_type3A = tpu.bitcast %get3A_1 : vector<32x76928xf32> -> vector<32x76928xi32>
    %add3A = arith.constant 32767 : i32
    %add3A_2 = vector.broadcast %add3A : i32 to vector<32x76928xi32>
    %add3A_3 = arith.addi %bitcast_convert_type3A, %add3A_2 : vector<32x76928xi32>
    %shift_right_arithmetic3A = arith.constant 16 : i32
    %shift_right_arithmetic3A_4 = vector.broadcast %shift_right_arithmetic3A : i32 to vector<32x76928xi32>
    %shift_right_arithmetic3A_5 = arith.shrsi %bitcast_convert_type3A, %shift_right_arithmetic3A_4 : vector<32x76928xi32>
    %and3A = arith.constant 1 : i32
    %and3A_6 = vector.broadcast %and3A : i32 to vector<32x76928xi32>
    %and3A_7 = arith.andi %shift_right_arithmetic3A_5, %and3A_6 : vector<32x76928xi32>
    %add3A_8 = arith.addi %add3A_3, %and3A_7 : vector<32x76928xi32>
    %slice3A = vector.extract_strided_slice %add3A_8 {offsets = [16, 0], sizes = [16, 76928], strides = [1, 1]} : vector<32x76928xi32> to vector<16x76928xi32>
    %and3A_9 = arith.constant -65536 : i32
    %and3A_10 = vector.broadcast %and3A_9 : i32 to vector<16x76928xi32>
    %and3A_11 = arith.andi %slice3A, %and3A_10 : vector<16x76928xi32>
    %slice3A_12 = vector.extract_strided_slice %add3A_8 {offsets = [0, 0], sizes = [16, 76928], strides = [1, 1]} : vector<32x76928xi32> to vector<16x76928xi32>
    %shift_right_arithmetic3A_13 = arith.constant 16 : i32
    %shift_right_arithmetic3A_14 = vector.broadcast %shift_right_arithmetic3A_13 : i32 to vector<16x76928xi32>
    %shift_right_arithmetic3A_15 = arith.shrsi %slice3A_12, %shift_right_arithmetic3A_14 : vector<16x76928xi32>
    %and3A_16 = arith.constant 65535 : i32
    %and3A_17 = vector.broadcast %and3A_16 : i32 to vector<16x76928xi32>
    %and3A_18 = arith.andi %shift_right_arithmetic3A_15, %and3A_17 : vector<16x76928xi32>
    %or3A = arith.ori %and3A_11, %and3A_18 : vector<16x76928xi32>
    %swap3A = arith.constant 0 : index
    %swap3A_19 = arith.constant 0 : index
    %swap3A_20 = vector.load %arg2[%swap3A, %swap3A_19] : memref<16x76928xi32, #tpu.memory_space<vmem>>, vector<16x76928xi32>
    tpu.vector_store %arg2[%swap3A, %swap3A_19], %or3A {strides = array<i32>} : memref<16x76928xi32, #tpu.memory_space<vmem>>, vector<16x76928xi32>,
    return
  }
  func.func @transform_0(%arg0: i32) -> (i32, i32) {
    %c0_i32 = arith.constant 0 : i32
    %c0_i32_0 = arith.constant 0 : i32
    return %c0_i32, %arg0 : i32, i32
  }
  func.func @transform_1(%arg0: i32) -> (i32, i32) {
    %c0_i32 = arith.constant 0 : i32
    %c0_i32_0 = arith.constant 0 : i32
    return %c0_i32, %arg0 : i32, i32
  }
}

</mosaic_0001>

<sc_bundles>
// kernel: kernel.6.cloned.1.call-start
scs
__scs_entry_jumppad:
0x0: {  	(pc) =	sbr.rel $0x88, $3  }
0x1: {  	(tag) =	ssettag $0x0;
	lr =	simm.s32 $0x1  }
0x2: {  	[smem:$0x3F9B] =	sst lr;
	_ =	strace $0xD0000000  }
0x3: {  	_ = 	snop  }
0x4: {  	_ = 	snop  }
0x5: {  	_ = 	snop  }
0x6: {  	_ = 	snop  }
0x7: {  	_ = 	snop  }
__scs_overlays_trampoline_lowered:
0x8: {  	[smem:$0x3FAA] =	sst s0  }
0x9: {  	[smem:$0x3FAB] =	sst s1  }
0xa: {  	[smem:$0x3FAC] =	sst s2  }
0xb: {  	[smem:$0x3FAD] =	sst s3  }
0xc: {  	[smem:$0x3FAE] =	sst s4  }
0xd: {  	[smem:$0x3FAF] =	sst s5  }
0xe: {  	[smem:$0x3FB0] =	sst s6  }
0xf: {  	[smem:$0x3FB1] =	sst s7  }
0x10: {  	[smem:$0x3FB2] =	sst s8  }
0x11: {  	[smem:$0x3FB3] =	sst s9;
	s0 =	simm.s32 @!p0 $0x0  }
0x12: {  	s1 =	sld [smem:$0x3F99];
	s0 =	simm.s32 @p0 $0x1  }
0x13: {  	[smem:$0x3FB4] =	sst s0;
	s0 =	simm.s32 @!p1 $0x0  }
0x14: {  	s2 =	sld [smem:$0x3F98];
	s0 =	simm.s32 @p1 $0x1  }
0x15: {  	[smem:$0x3FB5] =	sst s0;
	s0 =	simm.s32 @!p2 $0x0  }
0x16: {  	s3 =	sld [smem:$0x3FDB];
	s0 =	simm.s32 @p2 $0x1  }
0x17: {  	s4 =	simm.s32 $0x1BF5;
	[smem:$0x3FB7] =	sst s0  }
0x18: {  	s0 =	sld [smem:$0x3F9A];
	_ =	swait.ge [sflag:s4], $0x0  }
0x19: {  	s7 =	sld [smem:$0x3F9B]  }
0x1a: {  	s8 =	sadd.s32 $0xFFFFE003, lr  }
0x1b: {  	s9 =	sadd.s32 $0xFFFFFEF7, lr;
	s5 =	simm.s32 $0xFFFFFFFF;
	p2 =	slt.u32 s8, $0xFFFFF086  }
0x1c: {  	p1 =	slt.u32 s9, $0xF7A;
	s5 =	simm.s32 @!p2 $0x0  }
0x1d: {  	s5 =	simm.s32 @p1 $0x1;
	p0 =	seq.s32 s7, s2  }
0x1e: {  	s7 =	smul.u32 @!p0 $0xF7A, s2;
	p2 =	seq.s32 @!p0 s5, $0x0  }
0x1f: {  	s9 =	smul.u32 $0xF7A, s1;
	s8 =	simm.s32 @!p0 $0x1BF5;
	p2 =	por !p2, p0  }
0x20: {  	[sflag:s8] =	ssyncset.s32 @!p0 $0xFFFFF086;
	s6 =	sadd.s32 @!p0 s3, s7;
	s7 =	simm.s32 @!p0 $0x108  }
0x21: {  	s3 =	sadd.s32 s3, s9;
	s6 =	sadd.s32 @!p0 $0x88, s6;
	s7 =	simm.s32 @p2 $0x1082  }
0x22: {  	[simem:s7], [sflag:s8] =	dma.local @!p0 [hbm:s6], $0xF7A  }
0x23: {  	s9 =	sor.u32 $0xD0000000, s2;
	s6 =	simm.s32 $0x108;
	_ =	swait.ge @!p0 [sflag:s8], $0x0  }
0x24: {  	s3 =	sadd.s32 $0x88, s3;
	s6 =	simm.s32 @!p1 $0x1082;
	[sflag:s4] =	ssyncset.s32 $0xFFFFF086  }
0x25: {  	[simem:s6], [sflag:s4] =	dma.local [hbm:s3], $0xF7A  }
0x26: {  	[smem:$0x3F9B] =	sst s1;
	(tag) =	ssettag s2;
	_ =	strace s9  }
0x27: {  	s1 =	sld [smem:$0x3FAB]  }
0x28: {  	s2 =	sld [smem:$0x3FAC]  }
0x29: {  	s4 =	sld [smem:$0x3FAE]  }
0x2a: {  	p0 =	seq.s32 s5, $0x0;
	s5 =	sld [smem:$0x3FAF]  }
0x2b: {  	s6 =	sld [smem:$0x3FB0]  }
0x2c: {  	s7 =	sld [smem:$0x3FB1]  }
0x2d: {  	s3 =	simm.s32 $0x108;
	s8 =	sld [smem:$0x3FB2]  }
0x2e: {  	s3 =	simm.s32 @!p0 $0x1082;
	s9 =	sld [smem:$0x3FB3]  }
0x2f: {  	lr =	sadd.s32 s0, s3;
	s0 =	sld [smem:$0x3FAA]  }
0x30: {  	s3 =	sld [smem:$0x3FAD]  }
0x31: {  	[smem:$0x3FB6] =	sst s10  }
0x32: {  	s10 =	sld [smem:$0x3FB4];
	_ =	sdelay $0x3  }
0x33: {  	p0 =	seq.s32 s10, $0x1;
	s10 =	sld [smem:$0x3FB6];
	_ =	sdelay $0x3  }
0x34: {  	[smem:$0x3FB6] =	sst s10  }
0x35: {  	s10 =	sld [smem:$0x3FB5];
	_ =	sdelay $0x3  }
0x36: {  	p1 =	seq.s32 s10, $0x1;
	s10 =	sld [smem:$0x3FB6];
	_ =	sdelay $0x3  }
0x37: {  	[smem:$0x3FB6] =	sst s10  }
0x38: {  	s10 =	sld [smem:$0x3FB7]  }
0x39: {  	_ = 	snop;
	(pc) =	sbr.ind lr, $3  }
0x3a: {  	_ = 	snop  }
0x3b: {  	_ = 	snop  }
0x3c: {  	p2 =	seq.s32 s10, $0x1;
	s10 =	sld [smem:$0x3FB6]  }
0x3d: {  	_ =	shalt  }
0x3e: {  	_ =	shalt  }
0x3f: {  	_ =	shalt  }
0x40: {  	_ =	shalt  }
0x41: {  	_ =	shalt  }
0x42: {  	_ =	shalt  }
0x43: {  	_ =	shalt  }
0x44: {  	_ =	shalt  }
0x45: {  	_ =	shalt  }
0x46: {  	_ =	shalt  }
0x47: {  	_ =	shalt  }
0x48: {  	_ =	shalt  }
0x49: {  	_ =	shalt  }
0x4a: {  	_ =	shalt  }
0x4b: {  	_ =	shalt  }
0x4c: {  	_ =	shalt  }
0x4d: {  	_ =	shalt  }
0x4e: {  	_ =	shalt  }
0x4f: {  	_ =	shalt  }
0x50: {  	_ =	shalt  }
0x51: {  	_ =	shalt  }
0x52: {  	_ =	shalt  }
0x53: {  	_ =	shalt  }
0x54: {  	_ =	shalt  }
0x55: {  	_ =	shalt  }
0x56: {  	_ =	shalt  }
0x57: {  	_ =	shalt  }
0x58: {  	_ =	shalt  }
0x59: {  	_ =	shalt  }
0x5a: {  	_ =	shalt  }
0x5b: {  	_ =	shalt  }
0x5c: {  	_ =	shalt  }
0x5d: {  	_ =	shalt  }
0x5e: {  	_ =	shalt  }
0x5f: {  	_ =	shalt  }
0x60: {  	_ =	shalt  }
0x61: {  	_ =	shalt  }
0x62: {  	_ =	shalt  }
0x63: {  	_ =	shalt  }
0x64: {  	_ =	shalt  }
0x65: {  	_ =	shalt  }
0x66: {  	_ =	shalt  }
0x67: {  	_ =	shalt  }
0x68: {  	_ =	shalt  }
0x69: {  	_ =	shalt  }
0x6a: {  	_ =	shalt  }
0x6b: {  	_ =	shalt  }
0x6c: {  	_ =	shalt  }
0x6d: {  	_ =	shalt  }
0x6e: {  	_ =	shalt  }
0x6f: {  	_ =	shalt  }
0x70: {  	_ =	shalt  }
0x71: {  	_ =	shalt  }
0x72: {  	_ =	shalt  }
0x73: {  	_ =	shalt  }
0x74: {  	_ =	shalt  }
0x75: {  	_ =	shalt  }
0x76: {  	_ =	shalt  }
0x77: {  	_ =	shalt  }
0x78: {  	_ =	shalt  }
0x79: {  	_ =	shalt  }
0x7a: {  	_ =	shalt  }
0x7b: {  	_ =	shalt  }
0x7c: {  	_ =	shalt  }
0x7d: {  	_ =	shalt  }
0x7e: {  	_ =	shalt  }
0x7f: {  	_ =	shalt  }
0x80: {  	_ =	shalt  }
0x81: {  	_ =	shalt  }
0x82: {  	_ =	shalt  }
0x83: {  	_ =	shalt  }
0x84: {  	_ =	shalt  }
0x85: {  	_ =	shalt  }
0x86: {  	_ =	shalt  }
0x87: {  	_ =	shalt  }
.Lfunc_end0:
.L_simem_size_0:
called_computation_lowered:
.L_overlay_start_0:
0x88: {  	s2 =	sld [smem:$0x3FD9]  }
0x89: {  	s3 =	sld [smem:$0x3FFE];
	_ =	sdelay $0x1  }
0x8a: {  	s1 =	srdreg.scid  }
0x8b: {  	s0 =	sand.u32 $0x1, s1  }
0x8c: {  	s17 =	sshll.u32 s0, $0xA;
	s2 =	sadd.s32 s3, s2  }
0x8d: {  	s2 =	sadd.s32 s2, s17  }
0x8e: {  	[smem:$0x3FC2] =	sst s2  }
0x8f: {  	_ = 	snop  }
0x90: {  	s2 =	sld [smem:$0x3FC9];
	(tm) =	ssettm $0x1  }
0x91: {  	s18 =	sld [smem:$0x3FFB];
	_ =	sdelay $0x3  }
0x92: {  	_ =	strace s18  }
0x93: {  	s3 =	sld [smem:$0x3FFC];
	_ =	sdelay $0x3  }
0x94: {  	_ =	strace s3  }
0x95: {  	s3 =	sld [smem:$0x3FFD];
	_ =	sdelay $0x3  }
0x96: {  	_ =	strace s3  }
0x97: {  	_ =	strace $0x8FFFFFFF  }
0x98: {  	s19 =	sld [smem:$0x3FDB];
	_ =	sdelay $0x1  }
0x99: {  	s4 =	simm.s32 $_scs_section_size  }
0x9a: {  	s5 =	simm.s32 $_size__tile_overlayer_lowered;
	s6 =	simm.s32 $_tile_overlayer_lowered  }
0x9b: {  	s22 =	simm.s32 $0x1BFF;
	s21 =	sshll.u32 s6, $0x1;
	s3 =	sadd.s32 s4, s19  }
0x9c: {  	s7 =	simm.s32 $0x0;
	s20 =	sshll.u32 s5, $0x1;
	s5 =	sadd.s32 s21, s3  }
0x9d: {  	[timem:s7], [sflag:s22] =	dma.local [hbm:s5], s20  }
0x9e: {  	_ =	swait.ge [sflag:s22], s20  }
0x9f: {  	s4 =	ssub.s32 $0x0, s20;
	[sflag:s22] =	ssyncset.done $0x0  }
0xa0: {  	[sflag:s22] =	ssyncadd.s32 s4;
	_ =	sdelay $0x1  }
0xa1: {  	s23 =	simm.s32 $0x1B8B  }
0xa2: {  	_ =	swait.ge [sflag:s23], $0x1  }
0xa3: {  	[sflag:s23] =	ssyncset.done $0x0  }
0xa4: {  	s25 =	simm.s32 $0x1B8E;
	s24 =	sld [smem:$0x3FFE];
	[sflag:s23] =	ssyncadd.s32 $0xFFFFFFFF  }
0xa5: {  	s26 =	simm.s32 $execute0_lowered;
	[smem:$0x3FD2] =	sst s25  }
0xa6: {  	s5 =	sshll.u32 s26, $0x1;
	_ =	strace $0x80000046;
	[dreg:$0x1] =	wrdreg $0xFFFFFFFF  }
0xa7: {  	s28 =	simm.s32 $_size_execute0_lowered;
	s3 =	sadd.s32 s3, s5;
	[dreg:$0x0] =	wrdreg $0x0  }
0xa8: {  	s5 =	sshll.u32 s28, $0x1;
	[dreg:$0x2] =	wrdreg s3  }
0xa9: {  	[dreg:$0x3] =	wrdreg s5  }
0xaa: {  	[dreg:$0x4] =	wrdreg $0xC0  }
0xab: {  	_ =	task [dreg:s7], $0x5FFFF  }
0xac: {  	[dreg:$0x1] =	wrdreg $0xFFFFFFFF  }
0xad: {  	[dreg:$0x0] =	wrdreg $0x60  }
0xae: {  	[dreg:$0x2] =	wrdreg s24  }
0xaf: {  	[dreg:$0x3] =	wrdreg s2  }
0xb0: {  	[dreg:$0x4] =	wrdreg $0x9  }
0xb1: {  	_ =	task.clear_ibuf [dreg:s7], $0x5FFFF;
	_ =	strace $0x90000046  }
0xb2: {  	s29 =	simm.s32 $0x9;
	_ =	strace $0x80000048  }
0xb3: {  	_ =	swait.ge [sflag:s29], $0x1  }
0xb4: {  	[sflag:s29] =	ssyncadd.s32 $0xFFFFFFFF  }
0xb5: {  	_ =	strace $0x90000048  }
0xb6: {  	_ =	sfence  }
0xb7: {  	s30 =	sld [smem:$0x0];
	_ =	sdelay $0x2  }
0xb8: {  	s31 =	sshll.u32 s1, $0xD;
	s1 =	sshrl.u32 s1, $0x2  }
0xb9: {  	s3 =	sand.u32 $0x4000, s31;
	s1 =	sadd.s32 s1, s30  }
0xba: {  	s0 =	sor.u32 s3, s0;
	s1 =	sshll.u32 s1, $0x11  }
0xbb: {  	s0 =	sor.u32 s1, s0  }
0xbc: {  	s0 =	sadd.s32 $0x8F2B, s0  }
0xbd: {  	[sflag:s0] =	ssyncadd.remote.s32 $0x1  }
0xbe: {  	_ =	sfence.sel $0xFFFF  }
0xbf: {  	[dreg:$0x0] =	wrdreg $0xFFFFFFFF;
	(pc) =	sbr.abs _section_cstart, $3  }
0xc0: {  	[dreg:$0x1] =	wrdreg $0xFFFFFFFF  }
0xc1: {  	_ =	task.clear_ibuf [dreg:s7], $0x2FFFF;
	_ =	strace $0x9FFFFFFF  }
0xc2: {  	(tm) =	ssettm $0x7FFFFFFF  }
0xc3: {  	_ =	shalt  }
tec
execute0_lowered:
.L_overlay_start_1:
0x0: {  	(tag) =	ssettag $0x1  }
0x1: {  	s4 =	rddreg [dreg:$0x0]  }
0x2: {  	s5 =	rddreg [dreg:$0x1]  }
0x3: {  	s0 =	rddreg [dreg:$0x2];
	s2 =	simm.s32 $0x0;
	s3 =	srdreg.scid  }
0x4: {  	s1 =	stileid.u32;
	s9 =	simm.s32 $0x1;
	s10 =	simm.s32 $0x2400  }
0x5: {  	s11 =	simm.s32 $0x0;
	s6 =	sand.u32 $0x1, s3;
	s30 =	sshll.u32 s1, $0x1  }
0x6: {  	[smem:$0x7FF] =	sst s2;
	s3 =	sadd.s32 $0xC00, s4;
	s7 =	sor.u32 s6, s30  }
0x7: {  	_ =	strace $0x80000047;
	s6 =	ssub.s32 $0x2, s6;
	s8 =	sshll.u32 s7, $0xA  }
0x8: {  	s31 =	sshrl.u32 s6, $0x1;
	s7 =	sshll.u32 s7, $0x6;
	s8 =	sadd.s32 s8, s4  }
0x9: {  	s6 =	ssub.s32 s6, s31;
	s4 =	sadd.s32 s5, s7;
	s7 =	simm.s32 $0x2  }
0xa: {  	s5 =	sadd.s32 $0x1E9200, s8;
	s6 =	smax.u32 s6, $0x1;
	s8 =	simm.s32 $0x80  }
.LBB2_1:
0xb: {  	[tilespmem:s2], [sflag:$0x2] =	stream.linear.gather [hbm4b:s4+s2], $0x200, $0x38;
	[tilespmem:$0x4400] =	vst v63  }
0xc: {  	_ =	swait.ge [sflag:s7], $0x200  }
0xd: {  	[sflag:s7] =	ssyncset.done $0x0  }
0xe: {  	s12 =	simm.s32 $0x0;
	[sflag:s7] =	ssyncadd.s32 $0xFFFFFE00  }
0xf: {  	s13 =	simm.s32 $0x40;
	v0 =	vld [tilespmem:s12+$0x0]  }
.LBB2_2:
0x10: {  	_ =	sdelay $0x1  }
0x11: {  	p0 =	sne.s32 s13, $0x7C0  }
.Ltmp0:
0x12: {  	_ = 	snop;
	(pc) =	sbr.rel @p0 .LBB2_2-.Ltmp0, $4  }
0x13: {  	v1 =	vshll.u32 v0, $0x3  }
0x14: {  	v2 =	vand.u32 $0x7F, v0;
	v1 =	vand.u32 $0xFFFFFC00, v1  }
0x15: {  	s14 =	sshra.s32 s13, $0x2;
	v1 =	vor.u32 v2, v1  }
0x16: {  	s13 =	sadd.s32 $0x40, s13;
	v0 =	vld [tilespmem:s14+$0x0];
	[tilespmem:s12+$0x200] =	vst v1;
	s12 =	smov.u32 s14  }
0x17: {  	_ =	sdelay $0x3  }
0x18: {  	v1 =	vshll.u32 v0, $0x3  }
0x19: {  	v63 =	vand.u32 $0x7F, v0;
	v1 =	vand.u32 $0xFFFFFC00, v1  }
0x1a: {  	v0 =	vor.u32 v63, v1  }
0x1b: {  	s13 =	simm.s32 $0x0;
	[tilespmem:s12+$0x200] =	vst v0;
	s12 =	simm.s32 $0x0  }
.LBB2_4:
0x1c: {  	s19 =	sand.u32 $0x70, s12;
	s16 =	sand.u32 $0x180, s12  }
0x1d: {  	s14 =	sor.u32 s19, s16  }
0x1e: {  	s15 =	sshrl.u32 s13, $0x3;
	v1 =	vld [tilespmem:s14+$0x200]  }
0x1f: {  	s17 =	sshll.u32 s13, $0x7;
	s15 =	smul.u32 $0x7A1400, s15;
	s14 =	sshll.u32 s13, $0x9  }
0x20: {  	s17 =	sand.u32 $0x380, s17;
	s18 =	sand.u32 $0x3FFFFE00, s14  }
0x21: {  	s31 =	simm.s32 $0x10;
	s17 =	sor.u32 s17, s15;
	s15 =	sadd.s32 $0x400, s18  }
0x22: {  	v0 =	vmov s17;
	s17 =	sand.u32 $0x70, s31;
	s20 =	sadd.s32 s16, s15  }
0x23: {  	s18 =	simm.s32 $0x20;
	s16 =	sand.u32 $0x180, s31;
	s19 =	sadd.s32 s19, s20;
	v1 =	vadd.s32 v0, v1  }
.LBB2_5:
0x24: {  	p0 =	sne.s32 s18, $0x1F0;
	s20 =	sor.u32 s17, s16;
	[tilespmem:s19+$0x0] =	vst v1;
	s19 =	smov.u32 s17  }
0x25: {  	v1 =	vld [tilespmem:s20+$0x200]  }
.Ltmp1:
0x26: {  	(pc) =	sbr.rel @p0 .LBB2_5-.Ltmp1, $3  }
0x27: {  	_ =	sdelay $0x1  }
0x28: {  	s17 =	sand.u32 $0x70, s18;
	s20 =	sadd.s32 s16, s15  }
0x29: {  	s16 =	sand.u32 $0x180, s18;
	s18 =	sadd.s32 $0x10, s18;
	s19 =	sadd.s32 s19, s20;
	v1 =	vadd.s32 v0, v1  }
0x2a: {  	s18 =	sor.u32 s17, s16;
	[tilespmem:s19+$0x0] =	vst v1  }
0x2b: {  	v1 =	vld [tilespmem:s18+$0x200];
	_ =	sdelay $0x3  }
0x2c: {  	s15 =	sadd.s32 s16, s15  }
0x2d: {  	s15 =	sadd.s32 s17, s15;
	v0 =	vadd.s32 v0, v1  }
0x2e: {  	s23 =	sadd.s32 $0x2400, s14;
	s24 =	sadd.s32 $0x400, s14;
	s13 =	sadd.s32 $0x1, s13;
	[tilespmem:s15+$0x0] =	vst v0  }
0x2f: {  	[tilespmem:s23], [sflag:$0x1] =	stream.indirect.gather [hbm4b:s3+s8], $0x1, s24, s8, $0xb8;
	[tilespmem:$0x4400] =	vst v63  }
0x30: {  	s25 =	sadd.s32 $0x2480, s14;
	s26 =	sadd.s32 $0x480, s14;
	p0 =	sne.s32 s13, $0x10  }
0x31: {  	[tilespmem:s25], [sflag:$0x1] =	stream.indirect.gather [hbm4b:s3+s8], $0x1, s26, s8, $0xb8;
	[tilespmem:$0x4400] =	vst v63  }
.Ltmp2:
0x32: {  	_ = 	snop;
	(pc) =	sbr.rel @p0 .LBB2_4-.Ltmp2, $4  }
0x33: {  	s28 =	sadd.s32 $0x2500, s14;
	s29 =	sadd.s32 $0x500, s14  }
0x34: {  	[tilespmem:s28], [sflag:$0x1] =	stream.indirect.gather [hbm4b:s3+s8], $0x1, s29, s8, $0xb8;
	[tilespmem:$0x4400] =	vst v63  }
0x35: {  	s30 =	sadd.s32 $0x2580, s14;
	s31 =	sadd.s32 $0x580, s14  }
0x36: {  	[tilespmem:s30], [sflag:$0x1] =	stream.indirect.gather [hbm4b:s3+s8], $0x1, s31, s8, $0xb8;
	[tilespmem:$0x4400] =	vst v63  }
0x37: {  	_ =	swait.ge [sflag:s9], $0x2000;
	s11 =	sadd.s32 $0x1, s11  }
0x38: {  	[sflag:s9] =	ssyncset.done $0x0;
	p0 =	sne.s32 s11, s6  }
.Ltmp3:
0x39: {  	[sflag:s9] =	ssyncadd.s32 $0xFFFFE000;
	(pc) =	sbr.rel @p0 .LBB2_1-.Ltmp3, $4  }
0x3a: {  	[hbm4b:s5+s2] =	stream.linear.scatter [tilespmem:s10], [sflag:$0x2], $0x2000, $0x38;
	[tilespmem:$0x4400] =	vst v63  }
0x3b: {  	_ =	swait.ge [sflag:s7], $0x2000  }
0x3c: {  	[sflag:s7] =	ssyncset.done $0x0  }
0x3d: {  	[sflag:s7] =	ssyncadd.s32 $0xFFFFE000  }
0x3e: {  	_ =	sfence.sel $0x180000  }
0x3f: {  	[bflag:$0x0] =	sbarrier.arrive $0xFFFF  }
0x40: {  	p0 =	sne.s32 s1, $0x0;
	_ =	strace $0x90000047  }
0x41: {  	s0 =	sadd.s32 @!p0 $0x100000, s0;
	[bflag:$0x2] =	sbarrier.arrive $0xFFFF  }
0x42: {  	[sflag:s0] =	ssyncadd.tile.s32 @!p0 $0x1;
	_ =	shalt  }
.Lfunc_end2:
_tile_overlayer_lowered:
.L_overlay_start_2:
0x43: {  	(tag) =	ssettag $0x2  }
0x44: {  	s0 =	rddreg [dreg:$0x0];
	s2 =	stileid.u32  }
0x45: {  	s1 =	rddreg [dreg:$0x1];
	p0 =	sne.s32 s2, $0x0  }
0x46: {  	s3 =	rddreg [dreg:$0x2];
	[bflag:$0x3] =	sbarrier.arrive $0xFFFF;
	s2 =	simm.s32 @!p0 $0x1C02  }
0x47: {  	[timem:s3], [sflag:s2] =	dma.local @!p0 [hbm:s0], s1  }
0x48: {  	s0 =	simm.s32 @!p0 $0x2  }
0x49: {  	_ =	swait.ge @!p0 [sflag:s0], s1  }
0x4a: {  	s1 =	ssub.s32 @!p0 $0x0, s1;
	[sflag:s0] =	ssyncset.done @!p0 $0x0  }
0x4b: {  	[sflag:s0] =	ssyncadd.s32 @!p0 s1  }
0x4c: {  	[bflag:$0x3] =	sbarrier.arrive $0xFFFF  }
0x4d: {  	_ =	shalt  }

// kernel: kernel.9.cloned.1.call-start
scs
__scs_entry_jumppad:
0x0: {  	(pc) =	sbr.rel $0x88, $3  }
0x1: {  	(tag) =	ssettag $0x0;
	lr =	simm.s32 $0x1  }
0x2: {  	[smem:$0x3F9B] =	sst lr;
	_ =	strace $0xD0000000  }
0x3: {  	_ = 	snop  }
0x4: {  	_ = 	snop  }
0x5: {  	_ = 	snop  }
0x6: {  	_ = 	snop  }
0x7: {  	_ = 	snop  }
__scs_overlays_trampoline_lowered:
0x8: {  	[smem:$0x3FAA] =	sst s0  }
0x9: {  	[smem:$0x3FAB] =	sst s1  }
0xa: {  	[smem:$0x3FAC] =	sst s2  }
0xb: {  	[smem:$0x3FAD] =	sst s3  }
0xc: {  	[smem:$0x3FAE] =	sst s4  }
0xd: {  	[smem:$0x3FAF] =	sst s5  }
0xe: {  	[smem:$0x3FB0] =	sst s6  }
0xf: {  	[smem:$0x3FB1] =	sst s7  }
0x10: {  	[smem:$0x3FB2] =	sst s8  }
0x11: {  	[smem:$0x3FB3] =	sst s9;
	s0 =	simm.s32 @!p0 $0x0  }
0x12: {  	s1 =	sld [smem:$0x3F99];
	s0 =	simm.s32 @p0 $0x1  }
0x13: {  	[smem:$0x3FB4] =	sst s0;
	s0 =	simm.s32 @!p1 $0x0  }
0x14: {  	s2 =	sld [smem:$0x3F98];
	s0 =	simm.s32 @p1 $0x1  }
0x15: {  	[smem:$0x3FB5] =	sst s0;
	s0 =	simm.s32 @!p2 $0x0  }
0x16: {  	s3 =	sld [smem:$0x3FDB];
	s0 =	simm.s32 @p2 $0x1  }
0x17: {  	s4 =	simm.s32 $0x1BF5;
	[smem:$0x3FB7] =	sst s0  }
0x18: {  	s0 =	sld [smem:$0x3F9A];
	_ =	swait.ge [sflag:s4], $0x0  }
0x19: {  	s7 =	sld [smem:$0x3F9B]  }
0x1a: {  	s8 =	sadd.s32 $0xFFFFE003, lr  }
0x1b: {  	s9 =	sadd.s32 $0xFFFFFEF7, lr;
	s5 =	simm.s32 $0xFFFFFFFF;
	p2 =	slt.u32 s8, $0xFFFFF086  }
0x1c: {  	p1 =	slt.u32 s9, $0xF7A;
	s5 =	simm.s32 @!p2 $0x0  }
0x1d: {  	s5 =	simm.s32 @p1 $0x1;
	p0 =	seq.s32 s7, s2  }
0x1e: {  	s7 =	smul.u32 @!p0 $0xF7A, s2;
	p2 =	seq.s32 @!p0 s5, $0x0  }
0x1f: {  	s9 =	smul.u32 $0xF7A, s1;
	s8 =	simm.s32 @!p0 $0x1BF5;
	p2 =	por !p2, p0  }
0x20: {  	[sflag:s8] =	ssyncset.s32 @!p0 $0xFFFFF086;
	s6 =	sadd.s32 @!p0 s3, s7;
	s7 =	simm.s32 @!p0 $0x108  }
0x21: {  	s3 =	sadd.s32 s3, s9;
	s6 =	sadd.s32 @!p0 $0x88, s6;
	s7 =	simm.s32 @p2 $0x1082  }
0x22: {  	[simem:s7], [sflag:s8] =	dma.local @!p0 [hbm:s6], $0xF7A  }
0x23: {  	s9 =	sor.u32 $0xD0000000, s2;
	s6 =	simm.s32 $0x108;
	_ =	swait.ge @!p0 [sflag:s8], $0x0  }
0x24: {  	s3 =	sadd.s32 $0x88, s3;
	s6 =	simm.s32 @!p1 $0x1082;
	[sflag:s4] =	ssyncset.s32 $0xFFFFF086  }
0x25: {  	[simem:s6], [sflag:s4] =	dma.local [hbm:s3], $0xF7A  }
0x26: {  	[smem:$0x3F9B] =	sst s1;
	(tag) =	ssettag s2;
	_ =	strace s9  }
0x27: {  	s1 =	sld [smem:$0x3FAB]  }
0x28: {  	s2 =	sld [smem:$0x3FAC]  }
0x29: {  	s4 =	sld [smem:$0x3FAE]  }
0x2a: {  	p0 =	seq.s32 s5, $0x0;
	s5 =	sld [smem:$0x3FAF]  }
0x2b: {  	s6 =	sld [smem:$0x3FB0]  }
0x2c: {  	s7 =	sld [smem:$0x3FB1]  }
0x2d: {  	s3 =	simm.s32 $0x108;
	s8 =	sld [smem:$0x3FB2]  }
0x2e: {  	s3 =	simm.s32 @!p0 $0x1082;
	s9 =	sld [smem:$0x3FB3]  }
0x2f: {  	lr =	sadd.s32 s0, s3;
	s0 =	sld [smem:$0x3FAA]  }
0x30: {  	s3 =	sld [smem:$0x3FAD]  }
0x31: {  	[smem:$0x3FB6] =	sst s10  }
0x32: {  	s10 =	sld [smem:$0x3FB4];
	_ =	sdelay $0x3  }
0x33: {  	p0 =	seq.s32 s10, $0x1;
	s10 =	sld [smem:$0x3FB6];
	_ =	sdelay $0x3  }
0x34: {  	[smem:$0x3FB6] =	sst s10  }
0x35: {  	s10 =	sld [smem:$0x3FB5];
	_ =	sdelay $0x3  }
0x36: {  	p1 =	seq.s32 s10, $0x1;
	s10 =	sld [smem:$0x3FB6];
	_ =	sdelay $0x3  }
0x37: {  	[smem:$0x3FB6] =	sst s10  }
0x38: {  	s10 =	sld [smem:$0x3FB7]  }
0x39: {  	_ = 	snop;
	(pc) =	sbr.ind lr, $3  }
0x3a: {  	_ = 	snop  }
0x3b: {  	_ = 	snop  }
0x3c: {  	p2 =	seq.s32 s10, $0x1;
	s10 =	sld [smem:$0x3FB6]  }
0x3d: {  	_ =	shalt  }
0x3e: {  	_ =	shalt  }
0x3f: {  	_ =	shalt  }
0x40: {  	_ =	shalt  }
0x41: {  	_ =	shalt  }
0x42: {  	_ =	shalt  }
0x43: {  	_ =	shalt  }
0x44: {  	_ =	shalt  }
0x45: {  	_ =	shalt  }
0x46: {  	_ =	shalt  }
0x47: {  	_ =	shalt  }
0x48: {  	_ =	shalt  }
0x49: {  	_ =	shalt  }
0x4a: {  	_ =	shalt  }
0x4b: {  	_ =	shalt  }
0x4c: {  	_ =	shalt  }
0x4d: {  	_ =	shalt  }
0x4e: {  	_ =	shalt  }
0x4f: {  	_ =	shalt  }
0x50: {  	_ =	shalt  }
0x51: {  	_ =	shalt  }
0x52: {  	_ =	shalt  }
0x53: {  	_ =	shalt  }
0x54: {  	_ =	shalt  }
0x55: {  	_ =	shalt  }
0x56: {  	_ =	shalt  }
0x57: {  	_ =	shalt  }
0x58: {  	_ =	shalt  }
0x59: {  	_ =	shalt  }
0x5a: {  	_ =	shalt  }
0x5b: {  	_ =	shalt  }
0x5c: {  	_ =	shalt  }
0x5d: {  	_ =	shalt  }
0x5e: {  	_ =	shalt  }
0x5f: {  	_ =	shalt  }
0x60: {  	_ =	shalt  }
0x61: {  	_ =	shalt  }
0x62: {  	_ =	shalt  }
0x63: {  	_ =	shalt  }
0x64: {  	_ =	shalt  }
0x65: {  	_ =	shalt  }
0x66: {  	_ =	shalt  }
0x67: {  	_ =	shalt  }
0x68: {  	_ =	shalt  }
0x69: {  	_ =	shalt  }
0x6a: {  	_ =	shalt  }
0x6b: {  	_ =	shalt  }
0x6c: {  	_ =	shalt  }
0x6d: {  	_ =	shalt  }
0x6e: {  	_ =	shalt  }
0x6f: {  	_ =	shalt  }
0x70: {  	_ =	shalt  }
0x71: {  	_ =	shalt  }
0x72: {  	_ =	shalt  }
0x73: {  	_ =	shalt  }
0x74: {  	_ =	shalt  }
0x75: {  	_ =	shalt  }
0x76: {  	_ =	shalt  }
0x77: {  	_ =	shalt  }
0x78: {  	_ =	shalt  }
0x79: {  	_ =	shalt  }
0x7a: {  	_ =	shalt  }
0x7b: {  	_ =	shalt  }
0x7c: {  	_ =	shalt  }
0x7d: {  	_ =	shalt  }
0x7e: {  	_ =	shalt  }
0x7f: {  	_ =	shalt  }
0x80: {  	_ =	shalt  }
0x81: {  	_ =	shalt  }
0x82: {  	_ =	shalt  }
0x83: {  	_ =	shalt  }
0x84: {  	_ =	shalt  }
0x85: {  	_ =	shalt  }
0x86: {  	_ =	shalt  }
0x87: {  	_ =	shalt  }
.Lfunc_end0:
.L_simem_size_0:
called_computation.1_lowered:
.L_overlay_start_0:
0x88: {  	s2 =	sld [smem:$0x3FD9]  }
0x89: {  	s3 =	sld [smem:$0x3FFE];
	_ =	sdelay $0x1  }
0x8a: {  	s1 =	srdreg.scid  }
0x8b: {  	s0 =	sand.u32 $0x1, s1  }
0x8c: {  	s17 =	sshll.u32 s0, $0xA;
	s2 =	sadd.s32 s3, s2  }
0x8d: {  	s2 =	sadd.s32 s2, s17  }
0x8e: {  	[smem:$0x3FC2] =	sst s2  }
0x8f: {  	_ = 	snop  }
0x90: {  	s2 =	sld [smem:$0x3FC8]  }
0x91: {  	s18 =	sld [smem:$0x3FD0];
	(tm) =	ssettm $0x1  }
0x92: {  	s4 =	sld [smem:$0x3FFB];
	_ =	sdelay $0x3  }
0x93: {  	_ =	strace s4  }
0x94: {  	s4 =	sld [smem:$0x3FFC];
	_ =	sdelay $0x3  }
0x95: {  	_ =	strace s4  }
0x96: {  	s4 =	sld [smem:$0x3FFD];
	_ =	sdelay $0x3  }
0x97: {  	_ =	strace s4  }
0x98: {  	_ =	strace $0x8FFFFFFF  }
0x99: {  	s19 =	sld [smem:$0x3FDB];
	_ =	sdelay $0x1  }
0x9a: {  	s5 =	simm.s32 $_scs_section_size  }
0x9b: {  	s6 =	simm.s32 $_size__tile_overlayer_lowered;
	s7 =	simm.s32 $_tile_overlayer_lowered  }
0x9c: {  	s22 =	simm.s32 $0x1BFF;
	s21 =	sshll.u32 s7, $0x1;
	s4 =	sadd.s32 s5, s19  }
0x9d: {  	s8 =	simm.s32 $0x0;
	s20 =	sshll.u32 s6, $0x1;
	s6 =	sadd.s32 s21, s4  }
0x9e: {  	[timem:s8], [sflag:s22] =	dma.local [hbm:s6], s20  }
0x9f: {  	_ =	swait.ge [sflag:s22], s20  }
0xa0: {  	s5 =	ssub.s32 $0x0, s20;
	[sflag:s22] =	ssyncset.done $0x0  }
0xa1: {  	[sflag:s22] =	ssyncadd.s32 s5;
	_ =	sdelay $0x1  }
0xa2: {  	s23 =	simm.s32 $0x1B8B  }
0xa3: {  	_ =	swait.ge [sflag:s23], $0x1  }
0xa4: {  	[sflag:s23] =	ssyncset.done $0x0  }
0xa5: {  	s25 =	simm.s32 $0x1B8E;
	s24 =	sld [smem:$0x3FFE];
	[sflag:s23] =	ssyncadd.s32 $0xFFFFFFFF  }
0xa6: {  	s26 =	simm.s32 $execute0_lowered;
	[smem:$0x3FD2] =	sst s25  }
0xa7: {  	s6 =	sshll.u32 s26, $0x1;
	_ =	strace $0x80000049;
	[dreg:$0x1] =	wrdreg $0xFFFFFFFF  }
0xa8: {  	s28 =	simm.s32 $_size_execute0_lowered;
	s4 =	sadd.s32 s4, s6;
	[dreg:$0x0] =	wrdreg $0x0  }
0xa9: {  	s6 =	sshll.u32 s28, $0x1;
	[dreg:$0x2] =	wrdreg s4  }
0xaa: {  	[dreg:$0x3] =	wrdreg s6  }
0xab: {  	[dreg:$0x4] =	wrdreg $0xC0  }
0xac: {  	_ =	task [dreg:s8], $0x5FFFF  }
0xad: {  	[dreg:$0x1] =	wrdreg $0xFFFFFFFF  }
0xae: {  	[dreg:$0x0] =	wrdreg $0x60  }
0xaf: {  	[dreg:$0x2] =	wrdreg s24  }
0xb0: {  	[dreg:$0x3] =	wrdreg s2  }
0xb1: {  	[dreg:$0x4] =	wrdreg s18  }
0xb2: {  	[dreg:$0x5] =	wrdreg $0x9  }
0xb3: {  	_ =	task.clear_ibuf [dreg:s8], $0x6FFFF;
	_ =	strace $0x90000049  }
0xb4: {  	s29 =	simm.s32 $0x9;
	_ =	strace $0x8000004B  }
0xb5: {  	_ =	swait.ge [sflag:s29], $0x1  }
0xb6: {  	[sflag:s29] =	ssyncadd.s32 $0xFFFFFFFF  }
0xb7: {  	_ =	strace $0x9000004B  }
0xb8: {  	_ =	sfence  }
0xb9: {  	s30 =	sld [smem:$0x0];
	_ =	sdelay $0x2  }
0xba: {  	s31 =	sshll.u32 s1, $0xD;
	s1 =	sshrl.u32 s1, $0x2  }
0xbb: {  	s3 =	sand.u32 $0x4000, s31;
	s1 =	sadd.s32 s1, s30  }
0xbc: {  	s0 =	sor.u32 s3, s0;
	s1 =	sshll.u32 s1, $0x11  }
0xbd: {  	s0 =	sor.u32 s1, s0  }
0xbe: {  	s0 =	sadd.s32 $0x8F2B, s0  }
0xbf: {  	[sflag:s0] =	ssyncadd.remote.s32 $0x1  }
0xc0: {  	_ =	sfence.sel $0xFFFF  }
0xc1: {  	[dreg:$0x0] =	wrdreg $0xFFFFFFFF;
	(pc) =	sbr.abs _section_cstart, $3  }
0xc2: {  	[dreg:$0x1] =	wrdreg $0xFFFFFFFF  }
0xc3: {  	_ =	task.clear_ibuf [dreg:s8], $0x2FFFF;
	_ =	strace $0x9FFFFFFF  }
0xc4: {  	(tm) =	ssettm $0x7FFFFFFF  }
0xc5: {  	_ =	shalt  }
tec
execute0_lowered:
.L_overlay_start_1:
0x0: {  	(tag) =	ssettag $0x1  }
0x1: {  	s4 =	rddreg [dreg:$0x0]  }
0x2: {  	s5 =	rddreg [dreg:$0x1]  }
0x3: {  	s7 =	rddreg [dreg:$0x2]  }
0x4: {  	s0 =	rddreg [dreg:$0x3]  }
0x5: {  	s3 =	srdreg.scid;
	s1 =	stileid.u32;
	s2 =	simm.s32 $0x0  }
0x6: {  	s11 =	simm.s32 $0x2400;
	s12 =	simm.s32 $0x80;
	s13 =	simm.s32 $0x1  }
0x7: {  	s14 =	simm.s32 $0x6430;
	s15 =	simm.s32 $0x0;
	s6 =	sand.u32 $0x1, s3  }
0x8: {  	s31 =	sshll.u32 s1, $0x1;
	[smem:$0x7FF] =	sst s2;
	s3 =	sadd.s32 $0x1F1200, s4  }
0x9: {  	s8 =	sor.u32 s6, s31;
	_ =	strace $0x8000004A;
	s6 =	ssub.s32 $0x2, s6  }
0xa: {  	s9 =	sshll.u32 s8, $0xA;
	s10 =	sshrl.u32 s6, $0x1;
	s8 =	sshll.u32 s8, $0x6  }
0xb: {  	s9 =	sadd.s32 s9, s4;
	s4 =	sadd.s32 $0x3D9800, s4;
	s10 =	ssub.s32 s6, s10  }
0xc: {  	s5 =	sadd.s32 s5, s8;
	s7 =	sadd.s32 s7, s8;
	s6 =	sadd.s32 $0x1E9200, s9  }
0xd: {  	s8 =	smax.u32 s10, $0x1;
	s9 =	simm.s32 $0x6400;
	s10 =	simm.s32 $0x2  }
.LBB2_1:
0xe: {  	[tilespmem:s9], [sflag:$0x2] =	stream.linear.gather [hbm4b:s4+s2], $0x30, $0x38;
	[tilespmem:$0x6630] =	vst v63  }
0xf: {  	_ =	swait.ge [sflag:s10], $0x30  }
0x10: {  	[sflag:s10] =	ssyncset.done $0x0  }
0x11: {  	[sflag:s10] =	ssyncadd.s32 $0xFFFFFFD0  }
0x12: {  	[tilespmem:s2], [sflag:$0x2] =	stream.linear.gather [hbm4b:s5+s2], $0x200, $0x38;
	[tilespmem:$0x6630] =	vst v63  }
0x13: {  	_ =	swait.ge [sflag:s10], $0x200  }
0x14: {  	[sflag:s10] =	ssyncset.done $0x0  }
0x15: {  	[sflag:s10] =	ssyncadd.s32 $0xFFFFFE00  }
0x16: {  	[tilespmem:s11], [sflag:$0x2] =	stream.linear.gather [hbm4b:s6+s2], $0x2000, $0x38;
	[tilespmem:$0x6630] =	vst v63  }
0x17: {  	_ =	swait.ge [sflag:s10], $0x2000  }
0x18: {  	[sflag:s10] =	ssyncset.done $0x0  }
0x19: {  	s16 =	simm.s32 $0x0;
	[sflag:s10] =	ssyncadd.s32 $0xFFFFE000  }
0x1a: {  	s17 =	simm.s32 $0x40;
	v0 =	vld [tilespmem:s16+$0x0]  }
.LBB2_2:
0x1b: {  	_ =	sdelay $0x1  }
0x1c: {  	p0 =	sne.s32 s17, $0x7C0  }
.Ltmp0:
0x1d: {  	_ = 	snop;
	(pc) =	sbr.rel @p0 .LBB2_2-.Ltmp0, $4  }
0x1e: {  	v1 =	vshll.u32 v0, $0x3  }
0x1f: {  	v2 =	vand.u32 $0x7F, v0;
	v1 =	vand.u32 $0xFFFFFC00, v1  }
0x20: {  	s18 =	sshra.s32 s17, $0x2;
	v1 =	vor.u32 v2, v1  }
0x21: {  	s17 =	sadd.s32 $0x40, s17;
	v0 =	vld [tilespmem:s18+$0x0];
	[tilespmem:s16+$0x200] =	vst v1;
	s16 =	smov.u32 s18  }
0x22: {  	_ =	sdelay $0x3  }
0x23: {  	v1 =	vshll.u32 v0, $0x3  }
0x24: {  	v63 =	vand.u32 $0x7F, v0;
	v1 =	vand.u32 $0xFFFFFC00, v1  }
0x25: {  	v0 =	vor.u32 v63, v1  }
0x26: {  	s17 =	simm.s32 $0x0;
	[tilespmem:s16+$0x200] =	vst v0;
	s16 =	simm.s32 $0x0  }
.LBB2_4:
0x27: {  	s23 =	sand.u32 $0x70, s16;
	s20 =	sand.u32 $0x180, s16  }
0x28: {  	s18 =	sor.u32 s23, s20  }
0x29: {  	s19 =	sshrl.u32 s17, $0x3;
	v1 =	vld [tilespmem:s18+$0x200]  }
0x2a: {  	s21 =	sshll.u32 s17, $0x7;
	s19 =	smul.u32 $0x7A1400, s19;
	s18 =	sshll.u32 s17, $0x9  }
0x2b: {  	s21 =	sand.u32 $0x380, s21;
	s22 =	sand.u32 $0x3FFFFE00, s18  }
0x2c: {  	s31 =	simm.s32 $0x10;
	s21 =	sor.u32 s21, s19;
	s19 =	sadd.s32 $0x400, s22  }
0x2d: {  	v0 =	vmov s21;
	s21 =	sand.u32 $0x70, s31;
	s24 =	sadd.s32 s20, s19  }
0x2e: {  	s22 =	simm.s32 $0x20;
	s20 =	sand.u32 $0x180, s31;
	s23 =	sadd.s32 s23, s24;
	v1 =	vadd.s32 v0, v1  }
.LBB2_5:
0x2f: {  	p0 =	sne.s32 s22, $0x1F0;
	s24 =	sor.u32 s21, s20;
	[tilespmem:s23+$0x0] =	vst v1;
	s23 =	smov.u32 s21  }
0x30: {  	v1 =	vld [tilespmem:s24+$0x200]  }
.Ltmp1:
0x31: {  	(pc) =	sbr.rel @p0 .LBB2_5-.Ltmp1, $3  }
0x32: {  	_ =	sdelay $0x1  }
0x33: {  	s21 =	sand.u32 $0x70, s22;
	s24 =	sadd.s32 s20, s19  }
0x34: {  	s20 =	sand.u32 $0x180, s22;
	s22 =	sadd.s32 $0x10, s22;
	s23 =	sadd.s32 s23, s24;
	v1 =	vadd.s32 v0, v1  }
0x35: {  	s22 =	sor.u32 s21, s20;
	[tilespmem:s23+$0x0] =	vst v1  }
0x36: {  	v1 =	vld [tilespmem:s22+$0x200];
	_ =	sdelay $0x3  }
0x37: {  	s19 =	sadd.s32 s20, s19  }
0x38: {  	s19 =	sadd.s32 s21, s19;
	v0 =	vadd.s32 v0, v1  }
0x39: {  	s23 =	sadd.s32 $0x4400, s18;
	s24 =	sadd.s32 $0x400, s18;
	s17 =	sadd.s32 $0x1, s17;
	[tilespmem:s19+$0x0] =	vst v0  }
0x3a: {  	[tilespmem:s23], [sflag:$0x1] =	stream.indirect.gather [hbm4b:s3+s12], $0x1, s24, s12, $0xb8;
	[tilespmem:$0x6630] =	vst v63  }
0x3b: {  	s25 =	sadd.s32 $0x4480, s18;
	s26 =	sadd.s32 $0x480, s18;
	p0 =	sne.s32 s17, $0x10  }
0x3c: {  	[tilespmem:s25], [sflag:$0x1] =	stream.indirect.gather [hbm4b:s3+s12], $0x1, s26, s12, $0xb8;
	[tilespmem:$0x6630] =	vst v63  }
.Ltmp2:
0x3d: {  	_ = 	snop;
	(pc) =	sbr.rel @p0 .LBB2_4-.Ltmp2, $4  }
0x3e: {  	s28 =	sadd.s32 $0x4500, s18;
	s29 =	sadd.s32 $0x500, s18  }
0x3f: {  	[tilespmem:s28], [sflag:$0x1] =	stream.indirect.gather [hbm4b:s3+s12], $0x1, s29, s12, $0xb8;
	[tilespmem:$0x6630] =	vst v63  }
0x40: {  	s30 =	sadd.s32 $0x4580, s18;
	s31 =	sadd.s32 $0x580, s18  }
0x41: {  	[tilespmem:s30], [sflag:$0x1] =	stream.indirect.gather [hbm4b:s3+s12], $0x1, s31, s12, $0xb8;
	[tilespmem:$0x6630] =	vst v63  }
0x42: {  	_ =	swait.ge [sflag:s13], $0x2000  }
0x43: {  	[sflag:s13] =	ssyncset.done $0x0  }
0x44: {  	[sflag:s13] =	ssyncadd.s32 $0xFFFFE000  }
0x45: {  	v0 =	vld [tilespmem:$0x6400];
	_ =	sdelay $0x4  }
0x46: {  	v31 =	vbroadcast v0, $0x0;
	v30 =	vbroadcast v0, $0x1  }
0x47: {  	v29 =	vbroadcast v0, $0x2;
	v28 =	vbroadcast v0, $0x3  }
0x48: {  	s16 =	simm.s32 $0x0;
	v14 =	vld [tilespmem:$0x6410];
	v27 =	vbroadcast v0, $0x4;
	v26 =	vbroadcast v0, $0x5  }
0x49: {  	v1 =	vld [tilespmem:s16+$0x2400];
	v25 =	vbroadcast v0, $0x6;
	v24 =	vbroadcast v0, $0x7  }
0x4a: {  	v2 =	vld [tilespmem:s16+$0x4400];
	v23 =	vbroadcast v0, $0x8;
	v22 =	vbroadcast v0, $0x9  }
0x4b: {  	v21 =	vbroadcast v0, $0xA;
	v20 =	vbroadcast v0, $0xB  }
0x4c: {  	v19 =	vbroadcast v0, $0xC;
	v18 =	vbroadcast v0, $0xD  }
0x4d: {  	v4 =	vld [tilespmem:s16+$0x2600];
	v17 =	vbroadcast v0, $0xE;
	v16 =	vbroadcast v0, $0xF  }
0x4e: {  	v5 =	vld [tilespmem:s16+$0x4600];
	v15 =	vbroadcast v14, $0x0;
	v12 =	vbroadcast v14, $0x1  }
0x4f: {  	v9 =	vld [tilespmem:s16+$0x4800];
	v10 =	vbroadcast v14, $0x2;
	v0 =	vshll.u32 v1, $0x10;
	v7 =	vshll.u32 v2, $0x10  }
0x50: {  	v33 =	vld [tilespmem:s16+$0x4A00];
	v6 =	vbroadcast v14, $0x3;
	v7 =	vmul.f32 v7, v0  }
0x51: {  	v8 =	vld [tilespmem:s16+$0x2800];
	v3 =	vbroadcast v14, $0x4;
	v1 =	vand.u32 $0xFFFF0000, v1;
	v2 =	vand.u32 $0xFFFF0000, v2  }
0x52: {  	v49 =	vld [tilespmem:s16+$0x2C00];
	v11 =	vshll.u32 v4, $0x10;
	v2 =	vmul.f32 v2, v1;
	v7 =	vmul.f32 v7, v31  }
0x53: {  	v32 =	vld [tilespmem:s16+$0x2A00];
	v13 =	vshll.u32 v5, $0x10;
	v4 =	vand.u32 $0xFFFF0000, v4;
	v5 =	vand.u32 $0xFFFF0000, v5  }
0x54: {  	v35 =	vld [tilespmem:s16+$0x4C00];
	v11 =	vmul.f32 v13, v11;
	v13 =	vmul.f32 v2, v30;
	v7 =	vadd.f32 $0.0e+00, v7  }
0x55: {  	v50 =	vld [tilespmem:s16+$0x2E00];
	v34 =	vshll.u32 v9, $0x10;
	v9 =	vand.u32 $0xFFFF0000, v9;
	v36 =	vshll.u32 v33, $0x10  }
0x56: {  	v51 =	vld [tilespmem:s16+$0x4E00];
	v5 =	vmul.f32 v5, v4;
	v11 =	vmul.f32 v11, v29;
	v7 =	vadd.f32 v7, v13  }
0x57: {  	v52 =	vld [tilespmem:s16+$0x3000];
	v33 =	vand.u32 $0xFFFF0000, v33;
	v37 =	vshll.u32 v49, $0x10;
	v13 =	vshll.u32 v8, $0x10  }
0x58: {  	v54 =	vld [tilespmem:s16+$0x5000];
	v13 =	vmul.f32 v34, v13;
	v7 =	vadd.f32 v11, v7;
	v11 =	vmul.f32 v5, v28  }
0x59: {  	v38 =	vshll.u32 v35, $0x10;
	v35 =	vand.u32 $0xFFFF0000, v35;
	v8 =	vand.u32 $0xFFFF0000, v8  }
0x5a: {  	v42 =	vld [tilespmem:s16+$0x3200];
	v8 =	vmul.f32 v9, v8;
	v9 =	vadd.f32 v7, v11;
	v11 =	vmul.f32 v13, v27  }
0x5b: {  	v40 =	vshll.u32 v50, $0x10;
	v41 =	vshll.u32 v51, $0x10;
	v13 =	vshll.u32 v32, $0x10  }
0x5c: {  	v13 =	vmul.f32 v36, v13;
	v9 =	vadd.f32 v11, v9;
	v11 =	vmul.f32 v8, v26  }
0x5d: {  	v60 =	vshll.u32 v52, $0x10;
	v43 =	vshll.u32 v54, $0x10;
	v32 =	vand.u32 $0xFFFF0000, v32  }
0x5e: {  	v32 =	vmul.f32 v33, v32;
	v13 =	vmul.f32 v13, v25;
	v11 =	vadd.f32 v9, v11  }
0x5f: {  	v56 =	vld [tilespmem:s16+$0x5200];
	v48 =	vshll.u32 v42, $0x10;
	v42 =	vand.u32 $0xFFFF0000, v42;
	v0 =	vbroadcast v14, $0x5  }
0x60: {  	v37 =	vmul.f32 v38, v37;
	v32 =	vmul.f32 v32, v24;
	v13 =	vadd.f32 v13, v11  }
0x61: {  	v1 =	vbroadcast v14, $0x6;
	v4 =	vbroadcast v14, $0x8;
	v34 =	vand.u32 $0xFFFF0000, v49  }
0x62: {  	v44 =	vld [tilespmem:s16+$0x3400];
	v53 =	vmul.f32 v37, v23;
	v34 =	vmul.f32 v35, v34;
	v32 =	vadd.f32 v13, v32  }
0x63: {  	v55 =	vmul.f32 v41, v40;
	v62 =	vmul.f32 v43, v60;
	v38 =	vand.u32 $0xFFFF0000, v52  }
0x64: {  	v52 =	vshll.u32 v56, $0x10;
	v34 =	vmul.f32 v34, v22;
	v32 =	vadd.f32 v53, v32  }
0x65: {  	v39 =	vld [tilespmem:s16+$0x4200];
	v40 =	vand.u32 $0xFFFF0000, v56;
	v36 =	vand.u32 $0xFFFF0000, v50;
	v33 =	vand.u32 $0xFFFF0000, v51  }
0x66: {  	v57 =	vmul.f32 v55, v21;
	v55 =	vld [tilespmem:s16+$0x5600];
	v58 =	vmul.f32 v33, v36;
	v32 =	vadd.f32 v32, v34  }
0x67: {  	v59 =	vld [tilespmem:s16+$0x6200];
	v56 =	vshll.u32 v44, $0x10;
	v44 =	vand.u32 $0xFFFF0000, v44;
	v43 =	vmul.f32 v52, v48  }
0x68: {  	v46 =	vld [tilespmem:s16+$0x6000];
	v40 =	vmul.f32 v40, v42;
	v61 =	vmul.f32 v58, v20;
	v32 =	vadd.f32 v57, v32  }
0x69: {  	v63 =	vld [tilespmem:s16+$0x4000];
	v2 =	vbroadcast v14, $0x7;
	v37 =	vand.u32 $0xFFFF0000, v54;
	v54 =	vmul.f32 v43, v17  }
0x6a: {  	v49 =	vmul.f32 v62, v19;
	v50 =	vmul.f32 v37, v38;
	v51 =	vld [tilespmem:s16+$0x5400];
	v32 =	vadd.f32 v32, v61  }
0x6b: {  	v43 =	vand.u32 $0xFFFF0000, v55;
	v5 =	vbroadcast v14, $0x9;
	v35 =	vshll.u32 v39, $0x10  }
0x6c: {  	v7 =	vbroadcast v14, $0xA;
	v45 =	vmul.f32 v50, v18;
	v32 =	vadd.f32 v49, v32  }
0x6d: {  	v37 =	vshll.u32 v59, $0x10;
	v38 =	vand.u32 $0xFFFF0000, v46;
	v8 =	vbroadcast v14, $0xB  }
0x6e: {  	v33 =	vand.u32 $0xFFFF0000, v39;
	v36 =	vand.u32 $0xFFFF0000, v63;
	v53 =	vld [tilespmem:s16+$0x3600];
	v32 =	vadd.f32 v32, v45  }
0x6f: {  	v39 =	vshll.u32 v63, $0x10;
	v50 =	vshll.u32 v55, $0x10;
	v47 =	vshll.u32 v51, $0x10  }
0x70: {  	v60 =	vld [tilespmem:s16+$0x5800];
	v58 =	vmul.f32 v47, v56;
	v57 =	vmul.f32 v40, v16;
	v32 =	vadd.f32 v54, v32  }
0x71: {  	v9 =	vbroadcast v14, $0xC;
	v34 =	vand.u32 $0xFFFF0000, v59;
	v59 =	vand.u32 $0xFFFF0000, v51  }
0x72: {  	v48 =	vld [tilespmem:s16+$0x3800];
	v44 =	vmul.f32 v59, v44;
	v40 =	vmul.f32 v58, v15;
	v32 =	vadd.f32 v32, v57  }
0x73: {  	v11 =	vbroadcast v14, $0xD;
	v42 =	vand.u32 $0xFFFF0000, v53;
	v49 =	vshll.u32 v53, $0x10  }
0x74: {  	v58 =	vld [tilespmem:s16+$0x3C00];
	v61 =	vmul.f32 v44, v12;
	v62 =	vmul.f32 v50, v49;
	v32 =	vadd.f32 v40, v32  }
0x75: {  	v47 =	vand.u32 $0xFFFF0000, v60;
	v13 =	vbroadcast v14, $0xE;
	v42 =	vmul.f32 v43, v42;
	v43 =	vld [tilespmem:s16+$0x5A00]  }
0x76: {  	v63 =	vld [tilespmem:s16+$0x3A00];
	v51 =	vshll.u32 v60, $0x10;
	v44 =	vmul.f32 v62, v10;
	v32 =	vadd.f32 v32, v61  }
0x77: {  	v42 =	vmul.f32 v42, v6;
	v57 =	vshll.u32 v48, $0x10;
	v48 =	vand.u32 $0xFFFF0000, v48  }
0x78: {  	v49 =	vld [tilespmem:s16+$0x5E00];
	v40 =	vshll.u32 v46, $0x10;
	v46 =	vmul.f32 v51, v57;
	v32 =	vadd.f32 v44, v32  }
0x79: {  	v14 =	vbroadcast v14, $0xF;
	v53 =	vshll.u32 v58, $0x10;
	v45 =	vld [tilespmem:s16+$0x3E00];
	v60 =	vmul.f32 v47, v48  }
0x7a: {  	v62 =	vshll.u32 v43, $0x10;
	v54 =	vld [tilespmem:s16+$0x5C00];
	v59 =	vmul.f32 v46, v3;
	v32 =	vadd.f32 v32, v42  }
0x7b: {  	s17 =	simm.s32 $0x10;
	v43 =	vand.u32 $0xFFFF0000, v43;
	v52 =	vmul.f32 v60, v0;
	v61 =	vshll.u32 v63, $0x10  }
0x7c: {  	v55 =	vld [tilespmem:s17+$0x2800];
	v63 =	vand.u32 $0xFFFF0000, v63;
	v47 =	vmul.f32 v62, v61;
	v42 =	vadd.f32 v59, v32  }
0x7d: {  	v50 =	vand.u32 $0xFFFF0000, v58;
	v48 =	vld [tilespmem:s17+$0x2400];
	v46 =	vshll.u32 v49, $0x10;
	v43 =	vmul.f32 v43, v63  }
0x7e: {  	v44 =	vand.u32 $0xFFFF0000, v49;
	v49 =	vld [tilespmem:s17+$0x2600];
	v47 =	vmul.f32 v47, v1;
	v42 =	vadd.f32 v42, v52  }
0x7f: {  	v41 =	vand.u32 $0xFFFF0000, v45;
	v45 =	vshll.u32 v45, $0x10;
	v56 =	vshll.u32 v54, $0x10  }
0x80: {  	v53 =	vmul.f32 v56, v53;
	v52 =	vmul.f32 v43, v2;
	v51 =	vadd.f32 v47, v42;
	v47 =	vld [tilespmem:s17+$0x4400]  }
0x81: {  	s18 =	simm.s32 $0x80;
	v54 =	vand.u32 $0xFFFF0000, v54;
	v32 =	vld.msk [tilespmem:$0x6420 ss:$0x0], $0xffff;
	v43 =	vshll.u32 v55, $0x10;
	v42 =	vand.u32 $0xFFFF0000, v55  }
.LBB2_8:
0x82: {  	p0 =	sne.s32 s18, $0x7C0;
	v51 =	vadd.f32 v51, v52;
	v52 =	vmul.f32 v53, v4;
	v50 =	vmul.f32 v54, v50  }
0x83: {  	v54 =	vshll.u32 v49, $0x10;
	v49 =	vand.u32 $0xFFFF0000, v49;
	v53 =	vand.u32 $0xFFFF0000, v48  }
0x84: {  	v45 =	vmul.f32 v46, v45;
	v55 =	vld [tilespmem:s17+$0x4600];
	v51 =	vadd.f32 v52, v51;
	v50 =	vmul.f32 v50, v5  }
0x85: {  	v33 =	vmul.f32 v34, v33;
	v46 =	vshll.u32 v48, $0x10;
	v48 =	vand.u32 $0xFFFF0000, v47  }
0x86: {  	v41 =	vmul.f32 v44, v41;
	v45 =	vmul.f32 v45, v7;
	v34 =	vadd.f32 v51, v50  }
0x87: {  	v39 =	vmul.f32 v40, v39;
	v35 =	vmul.f32 v37, v35;
	v44 =	vshll.u32 v47, $0x10  }
0x88: {  	v41 =	vmul.f32 v41, v8;
	v37 =	vmul.f32 v44, v46;
	v40 =	vld [tilespmem:s17+$0x4800];
	v34 =	vadd.f32 v45, v34  }
0x89: {  	v36 =	vmul.f32 v38, v36;
	v44 =	vmul.f32 v48, v53;
	v45 =	vshll.u32 v55, $0x10  }
0x8a: {  	v38 =	vmul.f32 v39, v9;
	v37 =	vmul.f32 v37, v31;
	v34 =	vadd.f32 v34, v41  }
0x8b: {  	v36 =	vmul.f32 v36, v11;
	v39 =	vand.u32 $0xFFFF0000, v55;
	v41 =	vmul.f32 v45, v54;
	v45 =	vld [tilespmem:s17+$0x2A00]  }
0x8c: {  	v44 =	vmul.f32 v44, v30;
	v37 =	vadd.f32 $0.0e+00, v37;
	v46 =	vld [tilespmem:s17+$0x4A00];
	v34 =	vadd.f32 v38, v34  }
0x8d: {  	v35 =	vmul.f32 v35, v13;
	v38 =	vmul.f32 v39, v49;
	v39 =	vshll.u32 v40, $0x10  }
0x8e: {  	v37 =	vadd.f32 v37, v44;
	v41 =	vmul.f32 v41, v29;
	v34 =	vadd.f32 v34, v36  }
0x8f: {  	v33 =	vmul.f32 v33, v14;
	v36 =	vand.u32 $0xFFFF0000, v40;
	v39 =	vmul.f32 v39, v43;
	v40 =	vld [tilespmem:s17+$0x2C00]  }
0x90: {  	v37 =	vadd.f32 v41, v37;
	v38 =	vmul.f32 v38, v28;
	v41 =	vld [tilespmem:s17+$0x4C00];
	v34 =	vadd.f32 v35, v34  }
0x91: {  	v35 =	vmul.f32 v36, v42;
	v36 =	vshll.u32 v45, $0x10;
	v42 =	vshll.u32 v46, $0x10  }
0x92: {  	v37 =	vadd.f32 v37, v38;
	v38 =	vmul.f32 v39, v27;
	v33 =	vadd.f32 v34, v33  }
0x93: {  	v39 =	vand.u32 $0xFFFF0000, v46;
	v34 =	vand.u32 $0xFFFF0000, v45;
	v36 =	vmul.f32 v42, v36  }
0x94: {  	v37 =	vadd.f32 v38, v37;
	v35 =	vmul.f32 v35, v26;
	v38 =	vld [tilespmem:s17+$0x4200];
	v33 =	vadd.f32 v33, v32  }
0x95: {  	v34 =	vmul.f32 v39, v34;
	v39 =	vshll.u32 v40, $0x10;
	v42 =	vshll.u32 v41, $0x10;
	v43 =	vld [tilespmem:s17+$0x2E00]  }
0x96: {  	v35 =	vadd.f32 v37, v35;
	v36 =	vmul.f32 v36, v25;
	v37 =	vld [tilespmem:s17+$0x4E00];
	v33 =	vsub.f32 $0.0e+00, v33  }
0x97: {  	v40 =	vand.u32 $0xFFFF0000, v40;
	v41 =	vand.u32 $0xFFFF0000, v41;
	v39 =	vmul.f32 v42, v39;
	v42 =	vld [tilespmem:s17+$0x6200]  }
0x98: {  	v34 =	vmul.f32 v34, v24;
	v35 =	vadd.f32 v36, v35;
	v36 =	vld [tilespmem:s17+$0x3200];
	v33 =	vmul.f32 $1.442695020e+00, v33  }
0x99: {  	v40 =	vmul.f32 v41, v40;
	v41 =	vld [tilespmem:s17+$0x3000]  }
0x9a: {  	v34 =	vadd.f32 v35, v34;
	v35 =	vmul.f32 v39, v23;
	v39 =	vld [tilespmem:s17+$0x5000];
	(erf) = vpow2.f32 v33  }
0x9b: {  	v44 =	vshll.u32 v43, $0x10;
	v33 =	vand.u32 $0xFFFF0000, v38;
	v45 =	vshll.u32 v37, $0x10  }
0x9c: {  	v40 =	vmul.f32 v40, v22;
	v35 =	vadd.f32 v35, v34;
	v44 =	vmul.f32 v45, v44;
	v45 =	vld [tilespmem:s17+$0x5200]  }
0x9d: {  	v43 =	vand.u32 $0xFFFF0000, v43;
	v37 =	vand.u32 $0xFFFF0000, v37;
	v34 =	vand.u32 $0xFFFF0000, v42  }
0x9e: {  	v35 =	vadd.f32 v35, v40;
	v37 =	vmul.f32 v37, v43;
	v40 =	vmul.f32 v44, v21  }
0x9f: {  	v46 =	vshll.u32 v36, $0x10;
	v43 =	vshll.u32 v41, $0x10;
	v44 =	vshll.u32 v39, $0x10  }
0xa0: {  	v37 =	vmul.f32 v37, v20;
	v35 =	vadd.f32 v40, v35;
	v40 =	vmul.f32 v44, v43;
	v43 =	vld [tilespmem:s17+$0x4000]  }
0xa1: {  	v41 =	vand.u32 $0xFFFF0000, v41;
	v39 =	vand.u32 $0xFFFF0000, v39;
	v44 =	vshll.u32 v45, $0x10;
	v47 =	vld [tilespmem:s17+$0x3400]  }
0xa2: {  	v39 =	vmul.f32 v39, v41;
	v35 =	vadd.f32 v35, v37;
	v37 =	vmul.f32 v40, v19;
	v40 =	vld [tilespmem:s17+$0x5400]  }
0xa3: {  	v36 =	vand.u32 $0xFFFF0000, v36;
	v41 =	vand.u32 $0xFFFF0000, v45;
	v44 =	vmul.f32 v44, v46;
	v45 =	vpop (erf)  }
0xa4: {  	v39 =	vmul.f32 v39, v18;
	v46 =	vadd.f32 v37, v35;
	v48 =	vld [tilespmem:s17+$0x6000];
	v45 =	vadd.f32 $1.000000000e+00, v45  }
0xa5: {  	v41 =	vmul.f32 v41, v36;
	v35 =	vshll.u32 v38, $0x10;
	v37 =	vshll.u32 v42, $0x10;
	v49 =	vld [tilespmem:s17+$0x3600]  }
0xa6: {  	v38 =	vadd.f32 v46, v39;
	v39 =	vmul.f32 v44, v17;
	v42 =	vld [tilespmem:s17+$0x5600];
	(erf) = vrcp.f32 v45  }
0xa7: {  	v36 =	vand.u32 $0xFFFF0000, v43;
	v44 =	vshll.u32 v47, $0x10;
	v45 =	vshll.u32 v40, $0x10  }
0xa8: {  	v41 =	vmul.f32 v41, v16;
	v39 =	vadd.f32 v39, v38;
	v44 =	vmul.f32 v45, v44;
	v45 =	vld [tilespmem:s17+$0x3E00]  }
0xa9: {  	v46 =	vand.u32 $0xFFFF0000, v47;
	v40 =	vand.u32 $0xFFFF0000, v40;
	v47 =	vld [tilespmem:s17+$0x3800];
	v38 =	vand.u32 $0xFFFF0000, v48  }
0xaa: {  	v40 =	vmul.f32 v40, v46;
	v41 =	vadd.f32 v39, v41;
	v44 =	vmul.f32 v44, v15;
	v46 =	vld [tilespmem:s17+$0x5800]  }
0xab: {  	v50 =	vshll.u32 v49, $0x10;
	v39 =	vshll.u32 v43, $0x10;
	v51 =	vshll.u32 v42, $0x10  }
0xac: {  	v43 =	vmul.f32 v40, v12;
	v41 =	vadd.f32 v44, v41;
	v44 =	vmul.f32 v51, v50;
	v50 =	vld [tilespmem:s17+$0x5E00]  }
0xad: {  	v49 =	vand.u32 $0xFFFF0000, v49;
	v40 =	vshll.u32 v48, $0x10;
	v42 =	vand.u32 $0xFFFF0000, v42;
	v51 =	vld [tilespmem:s17+$0x3A00]  }
0xae: {  	v42 =	vmul.f32 v42, v49;
	v43 =	vadd.f32 v41, v43;
	v44 =	vmul.f32 v44, v10;
	v48 =	vld [tilespmem:s17+$0x5A00]  }
0xaf: {  	v49 =	vshll.u32 v47, $0x10;
	v41 =	vand.u32 $0xFFFF0000, v45;
	v52 =	vshll.u32 v46, $0x10;
	v53 =	vpop (erf)  }
0xb0: {  	v42 =	vmul.f32 v42, v6;
	v43 =	vadd.f32 v44, v43;
	v49 =	vmul.f32 v52, v49;
	[tilespmem:s16+$0x6430] =	vst v53;
	s16 =	smov.u32 s17  }
0xb1: {  	v47 =	vand.u32 $0xFFFF0000, v47;
	v46 =	vand.u32 $0xFFFF0000, v46;
	v52 =	vld [tilespmem:s16+$0x3C00];
	v44 =	vand.u32 $0xFFFF0000, v50  }
0xb2: {  	v46 =	vmul.f32 v46, v47;
	v42 =	vadd.f32 v43, v42;
	v43 =	vmul.f32 v49, v3;
	v54 =	vld [tilespmem:s16+$0x5C00]  }
0xb3: {  	v45 =	vshll.u32 v45, $0x10;
	s17 =	sshra.s32 s18, $0x2;
	v47 =	vshll.u32 v51, $0x10;
	v49 =	vshll.u32 v48, $0x10  }
0xb4: {  	v55 =	vld [tilespmem:s17+$0x2800];
	v42 =	vadd.f32 v43, v42;
	v43 =	vmul.f32 v46, v0;
	v47 =	vmul.f32 v49, v47  }
.Ltmp3:
0xb5: {  	v51 =	vand.u32 $0xFFFF0000, v51;
	v53 =	vand.u32 $0xFFFF0000, v48;
	v46 =	vshll.u32 v50, $0x10;
	v49 =	vld [tilespmem:s17+$0x2600];
	(pc) =	sbr.rel @p0 .LBB2_8-.Ltmp3, $4  }
0xb6: {  	v53 =	vmul.f32 v53, v51;
	v48 =	vld [tilespmem:s17+$0x2400];
	v42 =	vadd.f32 v42, v43;
	v43 =	vmul.f32 v47, v1  }
0xb7: {  	v56 =	vshll.u32 v52, $0x10;
	v50 =	vand.u32 $0xFFFF0000, v52;
	v57 =	vshll.u32 v54, $0x10  }
0xb8: {  	v52 =	vmul.f32 v53, v2;
	v47 =	vld [tilespmem:s17+$0x4400];
	v51 =	vadd.f32 v43, v42;
	v53 =	vmul.f32 v57, v56  }
0xb9: {  	s18 =	sadd.s32 $0x40, s18;
	v54 =	vand.u32 $0xFFFF0000, v54;
	v43 =	vshll.u32 v55, $0x10;
	v42 =	vand.u32 $0xFFFF0000, v55  }
0xba: {  	v62 =	vmul.f32 v53, v4  }
0xbb: {  	v51 =	vadd.f32 v51, v52;
	v50 =	vmul.f32 v54, v50;
	v45 =	vmul.f32 v46, v45  }
0xbc: {  	v33 =	vmul.f32 v34, v33;
	v41 =	vmul.f32 v44, v41  }
0xbd: {  	v39 =	vmul.f32 v40, v39;
	v51 =	vadd.f32 v62, v51;
	v50 =	vmul.f32 v50, v5  }
0xbe: {  	v54 =	vshll.u32 v49, $0x10;
	v55 =	vld [tilespmem:s17+$0x4600];
	v35 =	vmul.f32 v37, v35;
	v36 =	vmul.f32 v38, v36  }
0xbf: {  	v63 =	vand.u32 $0xFFFF0000, v48;
	v45 =	vmul.f32 v45, v7;
	v59 =	vadd.f32 v51, v50  }
0xc0: {  	v57 =	vshll.u32 v48, $0x10;
	v41 =	vmul.f32 v41, v8;
	v60 =	vshll.u32 v47, $0x10  }
0xc1: {  	v62 =	vld [tilespmem:s17+$0x4800];
	v58 =	vand.u32 $0xFFFF0000, v47;
	v61 =	vmul.f32 v60, v57;
	v34 =	vadd.f32 v45, v59  }
0xc2: {  	v49 =	vand.u32 $0xFFFF0000, v49;
	v63 =	vmul.f32 v58, v63;
	v50 =	vmul.f32 v39, v9  }
0xc3: {  	v48 =	vshll.u32 v55, $0x10;
	v31 =	vmul.f32 v61, v31;
	v34 =	vadd.f32 v34, v41  }
0xc4: {  	v53 =	vld [tilespmem:s17+$0x2A00];
	v36 =	vmul.f32 v36, v11;
	v51 =	vand.u32 $0xFFFF0000, v55;
	v52 =	vmul.f32 v48, v54  }
0xc5: {  	v30 =	vmul.f32 v63, v30;
	v54 =	vld [tilespmem:s17+$0x4A00];
	v31 =	vadd.f32 $0.0e+00, v31;
	v34 =	vadd.f32 v50, v34  }
0xc6: {  	v35 =	vmul.f32 v35, v13;
	v55 =	vmul.f32 v51, v49;
	v56 =	vshll.u32 v62, $0x10  }
0xc7: {  	v29 =	vmul.f32 v52, v29;
	v30 =	vadd.f32 v31, v30;
	v57 =	vadd.f32 v34, v36  }
0xc8: {  	v33 =	vmul.f32 v33, v14;
	v58 =	vand.u32 $0xFFFF0000, v62;
	v59 =	vmul.f32 v56, v43  }
0xc9: {  	v60 =	vld [tilespmem:s17+$0x2C00];
	v28 =	vmul.f32 v55, v28;
	v29 =	vadd.f32 v29, v30;
	v31 =	vadd.f32 v35, v57  }
0xca: {  	v62 =	vshll.u32 v53, $0x10;
	v27 =	vmul.f32 v59, v27;
	v63 =	vshll.u32 v54, $0x10  }
0xcb: {  	v61 =	vld [tilespmem:s17+$0x4C00];
	v34 =	vmul.f32 v58, v42;
	v28 =	vadd.f32 v29, v28;
	v40 =	vadd.f32 v31, v33  }
0xcc: {  	v41 =	vand.u32 $0xFFFF0000, v53;
	v42 =	vand.u32 $0xFFFF0000, v54;
	v35 =	vmul.f32 v63, v62  }
0xcd: {  	v26 =	vmul.f32 v34, v26;
	v27 =	vadd.f32 v27, v28;
	v43 =	vadd.f32 v40, v32  }
0xce: {  	v47 =	vld [tilespmem:s17+$0x2E00];
	v45 =	vshll.u32 v60, $0x10;
	v49 =	vand.u32 $0xFFFF0000, v60;
	v44 =	vmul.f32 v42, v41  }
0xcf: {  	v48 =	vld [tilespmem:s17+$0x4E00];
	v25 =	vmul.f32 v35, v25;
	v26 =	vadd.f32 v27, v26;
	v28 =	vsub.f32 $0.0e+00, v43  }
0xd0: {  	v52 =	vld [tilespmem:s17+$0x3000];
	v46 =	vshll.u32 v61, $0x10;
	v30 =	vand.u32 $0xFFFF0000, v61;
	v24 =	vmul.f32 v44, v24  }
0xd1: {  	v53 =	vld [tilespmem:s17+$0x5000];
	v31 =	vmul.f32 v46, v45;
	v25 =	vadd.f32 v25, v26;
	v28 =	vmul.f32 $1.442695020e+00, v28  }
0xd2: {  	v51 =	vmul.f32 v30, v49  }
0xd3: {  	v23 =	vmul.f32 v31, v23;
	v24 =	vadd.f32 v25, v24;
	(erf) = vpow2.f32 v28  }
0xd4: {  	v55 =	vshll.u32 v48, $0x10;
	v54 =	vshll.u32 v47, $0x10;
	v58 =	vand.u32 $0xFFFF0000, v47  }
0xd5: {  	v50 =	vld [tilespmem:s17+$0x3200];
	v56 =	vmul.f32 v55, v54;
	v22 =	vmul.f32 v51, v22;
	v23 =	vadd.f32 v23, v24  }
0xd6: {  	v60 =	vshll.u32 v52, $0x10;
	v61 =	vshll.u32 v53, $0x10;
	v27 =	vand.u32 $0xFFFF0000, v48  }
0xd7: {  	v57 =	vld [tilespmem:s17+$0x5200];
	v21 =	vmul.f32 v56, v21;
	v59 =	vmul.f32 v27, v58;
	v22 =	vadd.f32 v23, v22  }
0xd8: {  	v63 =	vmul.f32 v61, v60;
	v33 =	vand.u32 $0xFFFF0000, v53  }
0xd9: {  	v31 =	vand.u32 $0xFFFF0000, v52;
	v20 =	vmul.f32 v59, v20;
	v21 =	vadd.f32 v21, v22  }
0xda: {  	v37 =	vld [tilespmem:s17+$0x5400];
	v62 =	vshll.u32 v50, $0x10;
	v36 =	vmul.f32 v33, v31  }
0xdb: {  	v38 =	vand.u32 $0xFFFF0000, v50;
	v35 =	vld [tilespmem:s17+$0x3400];
	v19 =	vmul.f32 v63, v19;
	v20 =	vadd.f32 v21, v20  }
0xdc: {  	v34 =	vshll.u32 v57, $0x10;
	v39 =	vand.u32 $0xFFFF0000, v57;
	v18 =	vmul.f32 v36, v18;
	v40 =	vpop (erf)  }
0xdd: {  	v25 =	vmul.f32 v34, v62;
	v19 =	vadd.f32 v19, v20;
	v41 =	vadd.f32 $1.000000000e+00, v40  }
0xde: {  	v44 =	vld [tilespmem:s17+$0x5600];
	v42 =	vmul.f32 v39, v38  }
0xdf: {  	v43 =	vld [tilespmem:s17+$0x3600];
	v17 =	vmul.f32 v25, v17;
	v18 =	vadd.f32 v19, v18;
	(erf) = vrcp.f32 v41  }
0xe0: {  	v49 =	vld [tilespmem:s17+$0x3800];
	v46 =	vshll.u32 v37, $0x10;
	v45 =	vshll.u32 v35, $0x10  }
0xe1: {  	v54 =	vld [tilespmem:s17+$0x3E00];
	v16 =	vmul.f32 v42, v16;
	v47 =	vmul.f32 v46, v45;
	v17 =	vadd.f32 v17, v18  }
0xe2: {  	v60 =	vld [tilespmem:s17+$0x5E00];
	v48 =	vand.u32 $0xFFFF0000, v35;
	v22 =	vand.u32 $0xFFFF0000, v37  }
0xe3: {  	v51 =	vld [tilespmem:s17+$0x5800];
	v15 =	vmul.f32 v47, v15;
	v50 =	vmul.f32 v22, v48;
	v16 =	vadd.f32 v17, v16  }
0xe4: {  	v57 =	vld [tilespmem:s17+$0x3A00];
	v53 =	vshll.u32 v44, $0x10;
	v52 =	vshll.u32 v43, $0x10  }
0xe5: {  	v26 =	vld [tilespmem:s17+$0x4000];
	v55 =	vmul.f32 v53, v52;
	v12 =	vmul.f32 v50, v12;
	v15 =	vadd.f32 v15, v16  }
0xe6: {  	v59 =	vld [tilespmem:s17+$0x5A00];
	v56 =	vand.u32 $0xFFFF0000, v43;
	v19 =	vand.u32 $0xFFFF0000, v44  }
0xe7: {  	v28 =	vld [tilespmem:s17+$0x4200];
	v10 =	vmul.f32 v55, v10;
	v58 =	vmul.f32 v19, v56;
	v12 =	vadd.f32 v15, v12  }
0xe8: {  	v61 =	vshll.u32 v49, $0x10;
	v62 =	vshll.u32 v51, $0x10;
	v21 =	vld [tilespmem:s17+$0x6000];
	v63 =	vpop (erf)  }
0xe9: {  	v23 =	vmul.f32 v62, v61;
	v20 =	vld [tilespmem:s17+$0x6200];
	v6 =	vmul.f32 v58, v6;
	v10 =	vadd.f32 v10, v12;
	[tilespmem:s16+$0x6430] =	vst v63  }
0xea: {  	v24 =	vand.u32 $0xFFFF0000, v49;
	v18 =	vand.u32 $0xFFFF0000, v51;
	v25 =	vld [tilespmem:s17+$0x3C00]  }
0xeb: {  	v3 =	vmul.f32 v23, v3;
	v29 =	vmul.f32 v18, v24;
	v6 =	vadd.f32 v10, v6;
	v30 =	vld [tilespmem:s17+$0x5C00]  }
0xec: {  	v31 =	vshll.u32 v57, $0x10;
	v33 =	vshll.u32 v59, $0x10  }
0xed: {  	v34 =	vmul.f32 v33, v31;
	v0 =	vmul.f32 v29, v0;
	v3 =	vadd.f32 v3, v6  }
0xee: {  	v35 =	vand.u32 $0xFFFF0000, v57;
	v36 =	vand.u32 $0xFFFF0000, v59  }
0xef: {  	v37 =	vmul.f32 v36, v35;
	v1 =	vmul.f32 v34, v1;
	v0 =	vadd.f32 v3, v0  }
0xf0: {  	v38 =	vshll.u32 v25, $0x10;
	v39 =	vshll.u32 v30, $0x10  }
0xf1: {  	v40 =	vmul.f32 v37, v2;
	v0 =	vadd.f32 v1, v0;
	v41 =	vmul.f32 v39, v38  }
0xf2: {  	v42 =	vand.u32 $0xFFFF0000, v25;
	v43 =	vand.u32 $0xFFFF0000, v30  }
0xf3: {  	v45 =	vmul.f32 v43, v42;
	v0 =	vadd.f32 v0, v40;
	v44 =	vmul.f32 v41, v4  }
0xf4: {  	v46 =	vshll.u32 v54, $0x10;
	v47 =	vshll.u32 v60, $0x10  }
0xf5: {  	v49 =	vmul.f32 v47, v46;
	v48 =	vmul.f32 v45, v5;
	v0 =	vadd.f32 v44, v0  }
0xf6: {  	v50 =	vand.u32 $0xFFFF0000, v54;
	v51 =	vand.u32 $0xFFFF0000, v60  }
0xf7: {  	v52 =	vmul.f32 v49, v7;
	v53 =	vmul.f32 v51, v50;
	v0 =	vadd.f32 v0, v48  }
0xf8: {  	v54 =	vshll.u32 v26, $0x10;
	v55 =	vshll.u32 v21, $0x10  }
0xf9: {  	v56 =	vmul.f32 v53, v8;
	v3 =	vmul.f32 v55, v54;
	v0 =	vadd.f32 v52, v0  }
0xfa: {  	v57 =	vand.u32 $0xFFFF0000, v26;
	v58 =	vand.u32 $0xFFFF0000, v21  }
0xfb: {  	v2 =	vmul.f32 v58, v57;
	v59 =	vmul.f32 v3, v9;
	v0 =	vadd.f32 v0, v56  }
0xfc: {  	v60 =	vshll.u32 v28, $0x10;
	v61 =	vshll.u32 v20, $0x10  }
0xfd: {  	v2 =	vmul.f32 v2, v11;
	v3 =	vmul.f32 v61, v60;
	v0 =	vadd.f32 v59, v0  }
0xfe: {  	v62 =	vand.u32 $0xFFFF0000, v28;
	v63 =	vand.u32 $0xFFFF0000, v20  }
0xff: {  	v1 =	vmul.f32 v63, v62;
	v3 =	vmul.f32 v3, v13;
	v0 =	vadd.f32 v0, v2;
	_ =	sdelay $0x1  }
0x100: {  	v1 =	vmul.f32 v1, v14;
	v0 =	vadd.f32 v3, v0;
	_ =	sdelay $0x1  }
0x101: {  	v0 =	vadd.f32 v0, v1;
	_ =	sdelay $0x1  }
0x102: {  	v0 =	vadd.f32 v0, v32;
	_ =	sdelay $0x1  }
0x103: {  	v0 =	vsub.f32 $0.0e+00, v0;
	_ =	sdelay $0x1  }
0x104: {  	v0 =	vmul.f32 $1.442695020e+00, v0;
	_ =	sdelay $0x1  }
0x105: {  	(erf) = vpow2.f32 v0;
	_ =	sdelay $0x8  }
0x106: {  	v0 =	vpop (erf)  }
0x107: {  	v0 =	vadd.f32 $1.000000000e+00, v0;
	_ =	sdelay $0x1  }
0x108: {  	(erf) = vrcp.f32 v0;
	_ =	sdelay $0x7  }
0x109: {  	s15 =	sadd.s32 $0x1, s15  }
0x10a: {  	p0 =	sne.s32 s15, s8;
	v0 =	vpop (erf)  }
.Ltmp4:
0x10b: {  	[tilespmem:s17+$0x6430] =	vst v0;
	(pc) =	sbr.rel @p0 .LBB2_1-.Ltmp4, $4  }
0x10c: {  	[hbm4b:s7+s2] =	stream.linear.scatter [tilespmem:s14], [sflag:$0x2], $0x200, $0x38;
	[tilespmem:$0x6630] =	vst v63  }
0x10d: {  	_ =	swait.ge [sflag:s10], $0x200  }
0x10e: {  	[sflag:s10] =	ssyncset.done $0x0  }
0x10f: {  	[sflag:s10] =	ssyncadd.s32 $0xFFFFFE00  }
0x110: {  	_ =	sfence.sel $0x180000  }
0x111: {  	[bflag:$0x0] =	sbarrier.arrive $0xFFFF  }
0x112: {  	p0 =	sne.s32 s1, $0x0;
	_ =	strace $0x9000004A  }
0x113: {  	s0 =	sadd.s32 @!p0 $0x100000, s0;
	[bflag:$0x2] =	sbarrier.arrive $0xFFFF  }
0x114: {  	[sflag:s0] =	ssyncadd.tile.s32 @!p0 $0x1;
	_ =	shalt  }
.Lfunc_end2:
_tile_overlayer_lowered:
.L_overlay_start_2:
0x115: {  	(tag) =	ssettag $0x2  }
0x116: {  	s0 =	rddreg [dreg:$0x0];
	s2 =	stileid.u32  }
0x117: {  	s1 =	rddreg [dreg:$0x1];
	p0 =	sne.s32 s2, $0x0  }
0x118: {  	s3 =	rddreg [dreg:$0x2];
	[bflag:$0x3] =	sbarrier.arrive $0xFFFF;
	s2 =	simm.s32 @!p0 $0x1C02  }
0x119: {  	[timem:s3], [sflag:s2] =	dma.local @!p0 [hbm:s0], s1  }
0x11a: {  	s0 =	simm.s32 @!p0 $0x2  }
0x11b: {  	_ =	swait.ge @!p0 [sflag:s0], s1  }
0x11c: {  	s1 =	ssub.s32 @!p0 $0x0, s1;
	[sflag:s0] =	ssyncset.done @!p0 $0x0  }
0x11d: {  	[sflag:s0] =	ssyncadd.s32 @!p0 s1  }
0x11e: {  	[bflag:$0x3] =	sbarrier.arrive $0xFFFF  }
0x11f: {  	_ =	shalt  }

</sc_bundles>
